<compile_context>
chip_gen: v7x
topology: tpu7x:2x2x1
jax: 0.10.2.dev20260603
libtpu: 0.0.44.dev20260713+nightly
codegen_flags: <defaults>
</compile_context>

<pallas_src>
import functools

import jax
import jax.numpy as jnp
from jax import lax
from jax.experimental import pallas as pl
from jax.experimental.pallas import tpu as pltpu
from jax.experimental.pallas import tpu_sc as plsc

N = 10000
E = 320000
D = 128
W16 = 16

NC = 2
NS = 16
NW = NC * NS
CHUNK = 128
K = 80
CT = NW * K
EPAD = CT * CHUNK
ROWS = 10240
RPS = ROWS // NS
GARBAGE = N
_NBUF = 2
TPS = N // NS


def _fill(ref, rows, width, value):
    groups = width // 16

    def body(i, _):
        for g in range(groups):
            ref[i, pl.ds(g * 16, 16)] = jnp.full((16,), value, jnp.float32)
        return 0

    lax.fori_loop(0, rows, body, 0)


def _sc_scatter_ones(dst2d):
    mesh = plsc.VectorSubcoreMesh(core_axis_name="c", subcore_axis_name="s")

    @functools.partial(
        pl.kernel, mesh=mesh,
        out_type=jax.ShapeDtypeStruct((NC, ROWS, W16), jnp.float32),
        scratch_types=[
            pltpu.VMEM((K, CHUNK), jnp.int32),
            pltpu.VMEM((CHUNK, W16), jnp.float32),
            pltpu.VMEM((CHUNK, W16), jnp.float32),
            pltpu.VMEM_SHARED((ROWS, W16), jnp.float32),
            pltpu.SemaphoreType.DMA,
        ],
        compiler_params=pltpu.CompilerParams(use_tc_tiling_on_sc=False),
    )
    def k(dst_hbm, out_hbm, dst_v, ones_v, zero_v, acc, sem):
        c = lax.axis_index("c")
        s = lax.axis_index("s")
        wid = s * NC + c
        pltpu.sync_copy(dst_hbm.at[pl.ds(wid * K, K)], dst_v)
        _fill(ones_v, CHUNK, W16, 1.0)
        _fill(zero_v, CHUNK, W16, 0.0)
        for kk in range(RPS // CHUNK):
            pltpu.sync_copy(zero_v, acc.at[pl.ds(s * RPS + kk * CHUNK, CHUNK)])
        plsc.subcore_barrier()

        _W = 16

        def body(j, _):
            pltpu.async_copy(ones_v, acc.at[dst_v.at[j]], sem, add=True)

            @pl.when(j >= _W)
            def _():
                pltpu.make_async_copy(ones_v, acc.at[dst_v.at[0]], sem).wait()
            return 0

        lax.fori_loop(0, K, body, 0)
        for _ in range(_W):
            pltpu.make_async_copy(ones_v, acc.at[dst_v.at[0]], sem).wait()
        plsc.subcore_barrier()
        pltpu.sync_copy(acc.at[pl.ds(s * RPS, RPS)],
                        out_hbm.at[c, pl.ds(s * RPS, RPS)])

    return k(dst2d)


def _sc_gather_scatter(table, src2d, dst2d, width):
    mesh = plsc.VectorSubcoreMesh(core_axis_name="c", subcore_axis_name="s")

    @functools.partial(
        pl.kernel, mesh=mesh,
        out_type=jax.ShapeDtypeStruct((NC, ROWS, width), jnp.float32),
        scratch_types=[
            pltpu.VMEM((K, CHUNK), jnp.int32),
            pltpu.VMEM((K, CHUNK), jnp.int32),
            [pltpu.VMEM((CHUNK, width), jnp.float32) for _ in range(_NBUF)],
            pltpu.VMEM_SHARED((N, width), jnp.float32),
            pltpu.VMEM_SHARED((ROWS, width), jnp.float32),
            [pltpu.SemaphoreType.DMA for _ in range(_NBUF)],
            [pltpu.SemaphoreType.DMA for _ in range(_NBUF)],
        ],
        compiler_params=pltpu.CompilerParams(use_tc_tiling_on_sc=False),
    )
    def k(tab_hbm, src_hbm, dst_hbm, out_hbm,
          src_v, dst_v, rows, tab_s, acc, gsems, ssems):
        c = lax.axis_index("c")
        s = lax.axis_index("s")
        wid = s * NC + c
        pltpu.sync_copy(tab_hbm.at[pl.ds(s * TPS, TPS)],
                        tab_s.at[pl.ds(s * TPS, TPS)])
        pltpu.sync_copy(src_hbm.at[pl.ds(wid * K, K)], src_v)
        pltpu.sync_copy(dst_hbm.at[pl.ds(wid * K, K)], dst_v)

        @pl.when(c == 0)
        def _():
            pltpu.sync_copy(tab_hbm.at[pl.ds(s * RPS, RPS)],
                            acc.at[pl.ds(s * RPS, RPS)])

        @pl.when(c != 0)
        def _():
            _fill(rows[0], CHUNK, width, 0.0)
            for kk in range(RPS // CHUNK):
                pltpu.sync_copy(rows[0],
                                acc.at[pl.ds(s * RPS + kk * CHUNK, CHUNK)])
        plsc.subcore_barrier()

        def wrap(j):
            return jnp.where(j >= K, j - K, j)

        for b in range(_NBUF):
            pltpu.async_copy(tab_s.at[src_v.at[b]], rows[b], gsems[b])

        def body(jj, _):
            j = _NBUF * jj
            for b in range(_NBUF):
                pltpu.make_async_copy(
                    tab_s.at[src_v.at[j + b]], rows[b], gsems[b]).wait()
                pltpu.sync_copy(rows[b], acc.at[dst_v.at[j + b]], add=True)
                pltpu.async_copy(
                    tab_s.at[src_v.at[wrap(j + b + _NBUF)]], rows[b], gsems[b])
            return 0

        lax.fori_loop(0, K // _NBUF, body, 0)
        for b in range(_NBUF):
            pltpu.make_async_copy(
                tab_s.at[src_v.at[b]], rows[b], gsems[b]).wait()
        plsc.subcore_barrier()
        pltpu.sync_copy(acc.at[pl.ds(s * RPS, RPS)],
                        out_hbm.at[c, pl.ds(s * RPS, RPS)])

    return k(table, src2d, dst2d)


_NRELOAD = 2
_KH = CT // NS // _NRELOAD


def _sc_layer1(y2, src2d, dst2d):
    width = D // 2
    mesh = plsc.VectorSubcoreMesh(core_axis_name="c", subcore_axis_name="s")

    @functools.partial(
        pl.kernel, mesh=mesh,
        out_type=jax.ShapeDtypeStruct((NC, ROWS, width), jnp.float32),
        scratch_types=[
            pltpu.VMEM((_KH, CHUNK), jnp.int32),
            pltpu.VMEM((_KH, CHUNK), jnp.int32),
            [pltpu.VMEM((CHUNK, width), jnp.float32) for _ in range(_NBUF)],
            pltpu.VMEM_SHARED((N, width), jnp.float32),
            pltpu.VMEM_SHARED((ROWS, width), jnp.float32),
            [pltpu.SemaphoreType.DMA for _ in range(_NBUF)],
            [pltpu.SemaphoreType.DMA for _ in range(_NBUF)],
        ],
        compiler_params=pltpu.CompilerParams(use_tc_tiling_on_sc=False),
    )
    def k(y2_hbm, src_hbm, dst_hbm, out_hbm,
          src_v, dst_v, rows, tab_s, acc, gsems, ssems):
        c = lax.axis_index("c")
        s = lax.axis_index("s")
        pltpu.sync_copy(y2_hbm.at[c, pl.ds(s * TPS, TPS)],
                        tab_s.at[pl.ds(s * TPS, TPS)])
        pltpu.sync_copy(y2_hbm.at[c, pl.ds(s * RPS, RPS)],
                        acc.at[pl.ds(s * RPS, RPS)])
        plsc.subcore_barrier()

        def wrap(j):
            return jnp.where(j >= _KH, j - _KH, j)

        for half in range(_NRELOAD):
            base = s * _NRELOAD * _KH + half * _KH
            pltpu.sync_copy(src_hbm.at[pl.ds(base, _KH)], src_v)
            pltpu.sync_copy(dst_hbm.at[pl.ds(base, _KH)], dst_v)
            for b in range(_NBUF):
                pltpu.async_copy(tab_s.at[src_v.at[b]], rows[b], gsems[b])

            def body(jj, _):
                j = _NBUF * jj
                for b in range(_NBUF):
                    pltpu.make_async_copy(
                        tab_s.at[src_v.at[j + b]], rows[b], gsems[b]).wait()
                    pltpu.sync_copy(rows[b], acc.at[dst_v.at[j + b]], add=True)
                    pltpu.async_copy(
                        tab_s.at[src_v.at[wrap(j + b + _NBUF)]],
                        rows[b], gsems[b])
                return 0

            lax.fori_loop(0, _KH // _NBUF, body, 0)
            for b in range(_NBUF):
                pltpu.make_async_copy(
                    tab_s.at[src_v.at[b]], rows[b], gsems[b]).wait()

        plsc.subcore_barrier()
        pltpu.sync_copy(acc.at[pl.ds(s * RPS, RPS)],
                        out_hbm.at[c, pl.ds(s * RPS, RPS)])

    return k(y2, src2d, dst2d)



_BLK = 1000


def _dis_from(dego_ref):
    d0 = dego_ref[0, :, 0:1]
    d1 = dego_ref[1, :, 0:1]
    return lax.rsqrt(1.0 + d0 + d1)


def _tc_matmul_scale(x, W, dego):
    def body(x_ref, w_ref, dego_ref, o_ref):
        xw = jnp.dot(x_ref[...], w_ref[...],
                     preferred_element_type=jnp.float32)
        y = xw * _dis_from(dego_ref)
        o_ref[0] = y[:, :D // 2]
        o_ref[1] = y[:, D // 2:]

    return pl.pallas_call(
        body,
        grid=(N // _BLK,),
        in_specs=[pl.BlockSpec((_BLK, D), lambda i: (i, 0)),
                  pl.BlockSpec((D, D), lambda i: (0, 0)),
                  pl.BlockSpec((2, _BLK, W16), lambda i: (0, i, 0))],
        out_specs=pl.BlockSpec((2, _BLK, D // 2), lambda i: (0, i, 0)),
        out_shape=jax.ShapeDtypeStruct((2, ROWS, D // 2), jnp.float32),
    )(x, W, dego)


def _tc_layer1_finish(acc1, dego, b1, W2p):
    def body(a_ref, dego_ref, b1_ref, w2_ref, o_ref):
        dis = _dis_from(dego_ref)
        ssum = jnp.concatenate([a_ref[0], a_ref[1]], axis=1)
        h = jnp.maximum(ssum * dis + b1_ref[...][None, :], 0.0)
        o_ref[...] = jnp.dot(h, w2_ref[...],
                             preferred_element_type=jnp.float32) * dis

    return pl.pallas_call(
        body,
        grid=(N // _BLK,),
        in_specs=[pl.BlockSpec((2, _BLK, D // 2), lambda i: (0, i, 0)),
                  pl.BlockSpec((2, _BLK, W16), lambda i: (0, i, 0)),
                  pl.BlockSpec((D,), lambda i: (0,)),
                  pl.BlockSpec((D, W16), lambda i: (0, 0))],
        out_specs=pl.BlockSpec((_BLK, W16), lambda i: (i, 0)),
        out_shape=jax.ShapeDtypeStruct((ROWS, W16), jnp.float32),
    )(acc1, dego, b1, W2p)


def _tc_layer2_finish(acc2, dego, b2p):
    def body(a_ref, dego_ref, b2_ref, o_ref):
        dis = _dis_from(dego_ref)
        ssum = a_ref[0] + a_ref[1]
        o_ref[...] = ssum * dis + b2_ref[...][None, :]

    return pl.pallas_call(
        body,
        grid=(N // _BLK,),
        in_specs=[pl.BlockSpec((2, _BLK, W16), lambda i: (0, i, 0)),
                  pl.BlockSpec((2, _BLK, W16), lambda i: (0, i, 0)),
                  pl.BlockSpec((W16,), lambda i: (0,))],
        out_specs=pl.BlockSpec((_BLK, W16), lambda i: (i, 0)),
        out_shape=jax.ShapeDtypeStruct((N, W16), jnp.float32),
    )(acc2, dego, b2p)


def kernel(x, edge_index, W1, b1, W2, b2):
    src = edge_index[0].astype(jnp.int32)
    dst = edge_index[1].astype(jnp.int32)
    pad = EPAD - E
    src2d = jnp.concatenate(
        [src, jnp.zeros((pad,), jnp.int32)]).reshape(CT, CHUNK)
    dst2d = jnp.concatenate(
        [dst, jnp.full((pad,), GARBAGE, jnp.int32)]).reshape(CT, CHUNK)
    W2p = jnp.pad(W2, ((0, 0), (0, W16 - W2.shape[1])))
    b2p = jnp.pad(b2, (0, W16 - b2.shape[0]))

    dego = _sc_scatter_ones(dst2d)
    y2 = _tc_matmul_scale(x, W1, dego)
    acc1 = _sc_layer1(y2, src2d, dst2d)
    z = _tc_layer1_finish(acc1, dego, b1, W2p)
    acc2 = _sc_gather_scatter(z, src2d, dst2d, W16)
    out = _tc_layer2_finish(acc2, dego, b2p)
    return out[:, :2]

# --- scband reference (transcript-rebuilt; emitter-appended) ---
"""Pipeline reference for scband-threat-gcn-36885179138380 (READ-ONLY COPY).

The authoritative reference and input builder live on the scoring server;
editing this copy changes nothing except your own understanding.
"""

import jax, jax.numpy as jnp
import numpy as np

NUM_NODES = 10000
NUM_EDGES = 320000
D_IN = 128
D_HID = 128
D_OUT = 2


def setup_inputs(seed: int = 0) -> dict:
    key = jax.random.key(seed)
    k_x, k_ei, k_w1, k_b1, k_w2, k_b2 = jax.random.split(key, 6)
    x = jax.random.normal(k_x, (NUM_NODES, D_IN), dtype=jnp.float32)
    edge_index = jax.random.randint(k_ei, (2, NUM_EDGES), 0, NUM_NODES, dtype=jnp.int64)
    s1 = 1.0 / np.sqrt(D_IN)
    s2 = 1.0 / np.sqrt(D_HID)
    W1 = jax.random.uniform(k_w1, (D_IN, D_HID), jnp.float32, -s1, s1)
    b1 = jax.random.uniform(k_b1, (D_HID,), jnp.float32, -s1, s1)
    W2 = jax.random.uniform(k_w2, (D_HID, D_OUT), jnp.float32, -s2, s2)
    b2 = jax.random.uniform(k_b2, (D_OUT,), jnp.float32, -s2, s2)
    return {"x": x, "edge_index": edge_index, "W1": W1, "b1": b1, "W2": W2, "b2": b2}


def _gcn_conv(x, src, dst, W, b, num_nodes):
    # PyG GCNConv: x' = D^{-1/2} (A + I) D^{-1/2} (X W) + b, with self-loops
    self_loops = jnp.arange(num_nodes, dtype=src.dtype)
    src_sl = jnp.concatenate([src, self_loops])
    dst_sl = jnp.concatenate([dst, self_loops])
    deg = jnp.zeros((num_nodes,), dtype=jnp.float32).at[dst_sl].add(1.0)
    deg_inv_sqrt = 1.0 / jnp.sqrt(jnp.clip(deg, 1.0))
    norm = deg_inv_sqrt[src_sl] * deg_inv_sqrt[dst_sl]
    xw = x @ W
    msg = xw[src_sl] * norm[:, None]
    out = jnp.zeros((num_nodes, xw.shape[1]), dtype=xw.dtype).at[dst_sl].add(msg)
    return out + b


def reference(x, edge_index, W1, b1, W2, b2):
    src = edge_index[0]
    dst = edge_index[1]
    h = _gcn_conv(x, src, dst, W1, b1, NUM_NODES)
    h = jax.nn.relu(h)
    # dropout(p=0.5) is identity in eval mode
    out = _gcn_conv(h, src, dst, W2, b2, NUM_NODES)
    return out

if __name__ == "__main__":
    import jax
    _d = setup_inputs()
    print(jax.jit(kernel)(*tuple(_d.values())))

</pallas_src>

<mosaic_0001>
#map = affine_map<(d0, d1) -> (0, 0, 0)>
#map1 = affine_map<(d0, d1) -> (0, 0)>
module attributes {stable_mosaic.version = 14 : i64} {
  func.func @k(%arg0: i32, %arg1: i32, %arg2: memref<2x10240x64xf32, #tpu.memory_space<hbm>>, %arg3: memref<2560x128xi32, #tpu.memory_space<hbm>>, %arg4: memref<2560x128xi32, #tpu.memory_space<hbm>>, %arg5: memref<2x10240x64xf32, #tpu.memory_space<hbm>>, %arg6: memref<80x128xi32, #tpu.memory_space<vmem>>, %arg7: memref<80x128xi32, #tpu.memory_space<vmem>>, %arg8: memref<128x64xf32, #tpu.memory_space<vmem>>, %arg9: memref<128x64xf32, #tpu.memory_space<vmem>>, %arg10: memref<10000x64xf32, #tpu.memory_space<vmem_shared>>, %arg11: memref<10240x64xf32, #tpu.memory_space<vmem_shared>>, %arg12: memref<!tpu.dma_semaphore, #tpu.memory_space<semaphore_mem>>, %arg13: memref<!tpu.dma_semaphore, #tpu.memory_space<semaphore_mem>>, %arg14: memref<!tpu.dma_semaphore, #tpu.memory_space<semaphore_mem>>, %arg15: memref<!tpu.dma_semaphore, #tpu.memory_space<semaphore_mem>>) attributes {dimension_semantics = [#tpu.dimension_semantics<core_parallel>, #tpu.dimension_semantics<subcore_parallel>], iteration_bounds = array<i64: 2, 16>, scalar_prefetch = 0 : i64, scratch_operands = 10 : i64, tpu.core_type = #tpu.core_type<sc_vector_subcore>, window_params = [{transform_indices = #map}, {transform_indices = #map1}, {transform_indices = #map1}, {transform_indices = #map}]} {
    %mul3A = arith.constant 625 : i32
    %mul3A_0 = arith.muli %arg1, %mul3A : i32
    %mul3A_1 = arith.constant 625 : i32
    %mul3A_2 = arith.muli %arg1, %mul3A_1 : i32
    "tpu.region"() ({
      %run_scoped3A = tpu.sem_alloc : memref<!tpu.dma_semaphore, #tpu.memory_space<semaphore_mem>>
      %dma_start3A_90 = arith.constant 0 : i32
      %dma_start3A_91 = tpu.memref_slice %arg10[%mul3A_2, %dma_start3A_90] : memref<10000x64xf32, #tpu.memory_space<vmem_shared>> -> memref<625x64xf32, #tpu.memory_space<vmem_shared>>
      %dma_start3A_92 = arith.constant 0 : i32
      %dma_start3A_93 = tpu.memref_slice %arg2[%arg0, %mul3A_0, %dma_start3A_92] : memref<2x10240x64xf32, #tpu.memory_space<hbm>> -> memref<1x625x64xf32, #tpu.memory_space<hbm>>
      %dma_start3A_94 = tpu.memref_squeeze %dma_start3A_93 : memref<1x625x64xf32, #tpu.memory_space<hbm>> -> memref<625x64xf32, #tpu.memory_space<hbm>>
      tpu.enqueue_dma source(%dma_start3A_94 : memref<625x64xf32, #tpu.memory_space<hbm>>) target(%dma_start3A_91 : memref<625x64xf32, #tpu.memory_space<vmem_shared>>) target_semaphore(%run_scoped3A : memref<!tpu.dma_semaphore, #tpu.memory_space<semaphore_mem>>)
      %dma_wait3A_95 = arith.constant 0 : i32
      %dma_wait3A_96 = tpu.memref_slice %arg10[%mul3A_2, %dma_wait3A_95] : memref<10000x64xf32, #tpu.memory_space<vmem_shared>> -> memref<625x64xf32, #tpu.memory_space<vmem_shared>>
      %dma_wait3A_97 = arith.constant 0 : i32
      %dma_wait3A_98 = tpu.memref_slice %arg2[%arg0, %mul3A_0, %dma_wait3A_97] : memref<2x10240x64xf32, #tpu.memory_space<hbm>> -> memref<1x625x64xf32, #tpu.memory_space<hbm>>
      %dma_wait3A_99 = tpu.memref_squeeze %dma_wait3A_98 : memref<1x625x64xf32, #tpu.memory_space<hbm>> -> memref<625x64xf32, #tpu.memory_space<hbm>>
      tpu.wait_dma2 semaphore(%run_scoped3A : memref<!tpu.dma_semaphore, #tpu.memory_space<semaphore_mem>>) src(%dma_wait3A_99 : memref<625x64xf32, #tpu.memory_space<hbm>>) dst(%dma_wait3A_96 : memref<625x64xf32, #tpu.memory_space<vmem_shared>>)
      tpu.yield
    }) : () -> ()
    %mul3A_3 = arith.constant 640 : i32
    %mul3A_4 = arith.muli %arg1, %mul3A_3 : i32
    %mul3A_5 = arith.constant 640 : i32
    %mul3A_6 = arith.muli %arg1, %mul3A_5 : i32
    "tpu.region"() ({
      %run_scoped3A = tpu.sem_alloc : memref<!tpu.dma_semaphore, #tpu.memory_space<semaphore_mem>>
      %dma_start3A_90 = arith.constant 0 : i32
      %dma_start3A_91 = tpu.memref_slice %arg11[%mul3A_6, %dma_start3A_90] : memref<10240x64xf32, #tpu.memory_space<vmem_shared>> -> memref<640x64xf32, #tpu.memory_space<vmem_shared>>
      %dma_start3A_92 = arith.constant 0 : i32
      %dma_start3A_93 = tpu.memref_slice %arg2[%arg0, %mul3A_4, %dma_start3A_92] : memref<2x10240x64xf32, #tpu.memory_space<hbm>> -> memref<1x640x64xf32, #tpu.memory_space<hbm>>
      %dma_start3A_94 = tpu.memref_squeeze %dma_start3A_93 : memref<1x640x64xf32, #tpu.memory_space<hbm>> -> memref<640x64xf32, #tpu.memory_space<hbm>>
      tpu.enqueue_dma source(%dma_start3A_94 : memref<640x64xf32, #tpu.memory_space<hbm>>) target(%dma_start3A_91 : memref<640x64xf32, #tpu.memory_space<vmem_shared>>) target_semaphore(%run_scoped3A : memref<!tpu.dma_semaphore, #tpu.memory_space<semaphore_mem>>)
      %dma_wait3A_95 = arith.constant 0 : i32
      %dma_wait3A_96 = tpu.memref_slice %arg11[%mul3A_6, %dma_wait3A_95] : memref<10240x64xf32, #tpu.memory_space<vmem_shared>> -> memref<640x64xf32, #tpu.memory_space<vmem_shared>>
      %dma_wait3A_97 = arith.constant 0 : i32
      %dma_wait3A_98 = tpu.memref_slice %arg2[%arg0, %mul3A_4, %dma_wait3A_97] : memref<2x10240x64xf32, #tpu.memory_space<hbm>> -> memref<1x640x64xf32, #tpu.memory_space<hbm>>
      %dma_wait3A_99 = tpu.memref_squeeze %dma_wait3A_98 : memref<1x640x64xf32, #tpu.memory_space<hbm>> -> memref<640x64xf32, #tpu.memory_space<hbm>>
      tpu.wait_dma2 semaphore(%run_scoped3A : memref<!tpu.dma_semaphore, #tpu.memory_space<semaphore_mem>>) src(%dma_wait3A_99 : memref<640x64xf32, #tpu.memory_space<hbm>>) dst(%dma_wait3A_96 : memref<640x64xf32, #tpu.memory_space<vmem_shared>>)
      tpu.yield
    }) : () -> ()
    %barrier3A = arith.constant 0 : index
    tpu.barrier barrier_id(%barrier3A)
    %mul3A_7 = arith.constant 2 : i32
    %mul3A_8 = arith.muli %arg1, %mul3A_7 : i32
    %mul3A_9 = arith.constant 80 : i32
    %mul3A_10 = arith.muli %mul3A_8, %mul3A_9 : i32
    %add3A = arith.constant 0 : i32
    %add3A_11 = arith.addi %mul3A_10, %add3A : i32
    "tpu.region"() ({
      %run_scoped3A = tpu.sem_alloc : memref<!tpu.dma_semaphore, #tpu.memory_space<semaphore_mem>>
      %dma_start3A_90 = arith.constant 0 : i32
      %dma_start3A_91 = tpu.memref_slice %arg3[%add3A_11, %dma_start3A_90] : memref<2560x128xi32, #tpu.memory_space<hbm>> -> memref<80x128xi32, #tpu.memory_space<hbm>>
      %dma_start3A_92 = arith.constant 0 : i32
      %dma_start3A_93 = tpu.memref_slice %arg3[%add3A_11, %dma_start3A_92] : memref<2560x128xi32, #tpu.memory_space<hbm>> -> memref<80x128xi32, #tpu.memory_space<hbm>>
      tpu.enqueue_dma source(%dma_start3A_93 : memref<80x128xi32, #tpu.memory_space<hbm>>) target(%arg6 : memref<80x128xi32, #tpu.memory_space<vmem>>) target_semaphore(%run_scoped3A : memref<!tpu.dma_semaphore, #tpu.memory_space<semaphore_mem>>)
      %dma_wait3A_94 = arith.constant 0 : i32
      %dma_wait3A_95 = tpu.memref_slice %arg3[%add3A_11, %dma_wait3A_94] : memref<2560x128xi32, #tpu.memory_space<hbm>> -> memref<80x128xi32, #tpu.memory_space<hbm>>
      %dma_wait3A_96 = arith.constant 0 : i32
      %dma_wait3A_97 = tpu.memref_slice %arg3[%add3A_11, %dma_wait3A_96] : memref<2560x128xi32, #tpu.memory_space<hbm>> -> memref<80x128xi32, #tpu.memory_space<hbm>>
      tpu.wait_dma2 semaphore(%run_scoped3A : memref<!tpu.dma_semaphore, #tpu.memory_space<semaphore_mem>>) src(%dma_wait3A_97 : memref<80x128xi32, #tpu.memory_space<hbm>>) dst(%arg6 : memref<80x128xi32, #tpu.memory_space<vmem>>)
      tpu.yield
    }) : () -> ()
    "tpu.region"() ({
      %run_scoped3A = tpu.sem_alloc : memref<!tpu.dma_semaphore, #tpu.memory_space<semaphore_mem>>
      %dma_start3A_90 = arith.constant 0 : i32
      %dma_start3A_91 = tpu.memref_slice %arg4[%add3A_11, %dma_start3A_90] : memref<2560x128xi32, #tpu.memory_space<hbm>> -> memref<80x128xi32, #tpu.memory_space<hbm>>
      %dma_start3A_92 = arith.constant 0 : i32
      %dma_start3A_93 = tpu.memref_slice %arg4[%add3A_11, %dma_start3A_92] : memref<2560x128xi32, #tpu.memory_space<hbm>> -> memref<80x128xi32, #tpu.memory_space<hbm>>
      tpu.enqueue_dma source(%dma_start3A_93 : memref<80x128xi32, #tpu.memory_space<hbm>>) target(%arg7 : memref<80x128xi32, #tpu.memory_space<vmem>>) target_semaphore(%run_scoped3A : memref<!tpu.dma_semaphore, #tpu.memory_space<semaphore_mem>>)
      %dma_wait3A_94 = arith.constant 0 : i32
      %dma_wait3A_95 = tpu.memref_slice %arg4[%add3A_11, %dma_wait3A_94] : memref<2560x128xi32, #tpu.memory_space<hbm>> -> memref<80x128xi32, #tpu.memory_space<hbm>>
      %dma_wait3A_96 = arith.constant 0 : i32
      %dma_wait3A_97 = tpu.memref_slice %arg4[%add3A_11, %dma_wait3A_96] : memref<2560x128xi32, #tpu.memory_space<hbm>> -> memref<80x128xi32, #tpu.memory_space<hbm>>
      tpu.wait_dma2 semaphore(%run_scoped3A : memref<!tpu.dma_semaphore, #tpu.memory_space<semaphore_mem>>) src(%dma_wait3A_97 : memref<80x128xi32, #tpu.memory_space<hbm>>) dst(%arg7 : memref<80x128xi32, #tpu.memory_space<vmem>>)
      tpu.yield
    }) : () -> ()
    %dma_start3A = arith.constant 0 : i32
    %dma_start3A_12 = arith.constant 0 : i32
    %dma_start3A_13 = tpu.memref_slice %arg6[%dma_start3A, %dma_start3A_12] : memref<80x128xi32, #tpu.memory_space<vmem>> -> memref<1x128xi32, #tpu.memory_space<vmem>>
    %dma_start3A_14 = tpu.memref_squeeze %dma_start3A_13 : memref<1x128xi32, #tpu.memory_space<vmem>> -> memref<128xi32, #tpu.memory_space<vmem>>
    %dma_start3A_15 = arith.constant 0 : i32
    %dma_start3A_16 = arith.constant 0 : i32
    %dma_start3A_17 = tpu.memref_slice %arg10[%dma_start3A_15, %dma_start3A_16] : memref<10000x64xf32, #tpu.memory_space<vmem_shared>> -> memref<10000x64xf32, #tpu.memory_space<vmem_shared>>
    tpu.enqueue_indirect_dma source(%dma_start3A_17 : memref<10000x64xf32, #tpu.memory_space<vmem_shared>>) target(%arg8 : memref<128x64xf32, #tpu.memory_space<vmem>>) offsets(%dma_start3A_14 : memref<128xi32, #tpu.memory_space<vmem>>) semaphore(%arg12 : memref<!tpu.dma_semaphore, #tpu.memory_space<semaphore_mem>>)
    %dma_start3A_18 = arith.constant 1 : i32
    %dma_start3A_19 = arith.constant 0 : i32
    %dma_start3A_20 = tpu.memref_slice %arg6[%dma_start3A_18, %dma_start3A_19] : memref<80x128xi32, #tpu.memory_space<vmem>> -> memref<1x128xi32, #tpu.memory_space<vmem>>
    %dma_start3A_21 = tpu.memref_squeeze %dma_start3A_20 : memref<1x128xi32, #tpu.memory_space<vmem>> -> memref<128xi32, #tpu.memory_space<vmem>>
    %dma_start3A_22 = arith.constant 0 : i32
    %dma_start3A_23 = arith.constant 0 : i32
    %dma_start3A_24 = tpu.memref_slice %arg10[%dma_start3A_22, %dma_start3A_23] : memref<10000x64xf32, #tpu.memory_space<vmem_shared>> -> memref<10000x64xf32, #tpu.memory_space<vmem_shared>>
    tpu.enqueue_indirect_dma source(%dma_start3A_24 : memref<10000x64xf32, #tpu.memory_space<vmem_shared>>) target(%arg9 : memref<128x64xf32, #tpu.memory_space<vmem>>) offsets(%dma_start3A_21 : memref<128xi32, #tpu.memory_space<vmem>>) semaphore(%arg13 : memref<!tpu.dma_semaphore, #tpu.memory_space<semaphore_mem>>)
    %scan3A = arith.constant 0 : i32
    %scan3A_25 = arith.constant 0 : i32
    %scan3A_26 = arith.constant 40 : i32
    %scan3A_27 = arith.addi %scan3A_25, %scan3A_26 : i32
    %scan3A_28 = arith.constant 1 : i32
    %scan3A_29 = scf.for %scan3A_90 = %scan3A_25 to %scan3A_27 step %scan3A_28 iter_args(%scan3A_91 = %scan3A) -> (i32)  : i32 {
      %mul3A_92 = arith.constant 2 : i32
      %mul3A_93 = arith.muli %mul3A_92, %scan3A_90 : i32
      %add3A_94 = arith.constant 0 : i32
      %add3A_95 = arith.addi %mul3A_93, %add3A_94 : i32
      %dma_wait3A_96 = arith.constant 0 : i32
      %dma_wait3A_97 = tpu.memref_slice %arg6[%add3A_95, %dma_wait3A_96] : memref<80x128xi32, #tpu.memory_space<vmem>> -> memref<1x128xi32, #tpu.memory_space<vmem>>
      %dma_wait3A_98 = tpu.memref_squeeze %dma_wait3A_97 : memref<1x128xi32, #tpu.memory_space<vmem>> -> memref<128xi32, #tpu.memory_space<vmem>>
      %dma_wait3A_99 = arith.constant 0 : i32
      %dma_wait3A_100 = arith.constant 0 : i32
      %dma_wait3A_101 = tpu.memref_slice %arg10[%dma_wait3A_99, %dma_wait3A_100] : memref<10000x64xf32, #tpu.memory_space<vmem_shared>> -> memref<10000x64xf32, #tpu.memory_space<vmem_shared>>
      tpu.wait_indirect_dma semaphore(%arg12 : memref<!tpu.dma_semaphore, #tpu.memory_space<semaphore_mem>>) src(%dma_wait3A_101 : memref<10000x64xf32, #tpu.memory_space<vmem_shared>>) dst(%arg8 : memref<128x64xf32, #tpu.memory_space<vmem>>)
      %add3A_102 = arith.constant 0 : i32
      %add3A_103 = arith.addi %mul3A_93, %add3A_102 : i32
      "tpu.region"() ({
        %run_scoped3A = tpu.sem_alloc : memref<!tpu.dma_semaphore, #tpu.memory_space<semaphore_mem>>
        %dma_start3A_142 = arith.constant 0 : i32
        %dma_start3A_143 = tpu.memref_slice %arg7[%add3A_103, %dma_start3A_142] : memref<80x128xi32, #tpu.memory_space<vmem>> -> memref<1x128xi32, #tpu.memory_space<vmem>>
        %dma_start3A_144 = tpu.memref_squeeze %dma_start3A_143 : memref<1x128xi32, #tpu.memory_space<vmem>> -> memref<128xi32, #tpu.memory_space<vmem>>
        %dma_start3A_145 = arith.constant 0 : i32
        %dma_start3A_146 = arith.constant 0 : i32
        %dma_start3A_147 = tpu.memref_slice %arg11[%dma_start3A_145, %dma_start3A_146] : memref<10240x64xf32, #tpu.memory_space<vmem_shared>> -> memref<10240x64xf32, #tpu.memory_space<vmem_shared>>
        tpu.enqueue_indirect_dma source(%arg8 : memref<128x64xf32, #tpu.memory_space<vmem>>) target(%dma_start3A_147 : memref<10240x64xf32, #tpu.memory_space<vmem_shared>>) offsets(%dma_start3A_144 : memref<128xi32, #tpu.memory_space<vmem>>) semaphore(%run_scoped3A : memref<!tpu.dma_semaphore, #tpu.memory_space<semaphore_mem>>) {add = true}
        %dma_wait3A_148 = arith.constant 0 : i32
        %dma_wait3A_149 = tpu.memref_slice %arg7[%add3A_103, %dma_wait3A_148] : memref<80x128xi32, #tpu.memory_space<vmem>> -> memref<1x128xi32, #tpu.memory_space<vmem>>
        %dma_wait3A_150 = tpu.memref_squeeze %dma_wait3A_149 : memref<1x128xi32, #tpu.memory_space<vmem>> -> memref<128xi32, #tpu.memory_space<vmem>>
        %dma_wait3A_151 = arith.constant 0 : i32
        %dma_wait3A_152 = arith.constant 0 : i32
        %dma_wait3A_153 = tpu.memref_slice %arg11[%dma_wait3A_151, %dma_wait3A_152] : memref<10240x64xf32, #tpu.memory_space<vmem_shared>> -> memref<10240x64xf32, #tpu.memory_space<vmem_shared>>
        tpu.wait_indirect_dma semaphore(%run_scoped3A : memref<!tpu.dma_semaphore, #tpu.memory_space<semaphore_mem>>) src(%arg8 : memref<128x64xf32, #tpu.memory_space<vmem>>) dst(%dma_wait3A_153 : memref<10240x64xf32, #tpu.memory_space<vmem_shared>>)
        tpu.yield
      }) : () -> ()
      %add3A_104 = arith.constant 0 : i32
      %add3A_105 = arith.addi %mul3A_93, %add3A_104 : i32
      %add3A_106 = arith.constant 2 : i32
      %add3A_107 = arith.addi %add3A_105, %add3A_106 : i32
      %ge3A = arith.constant 80 : i32
      %ge3A_108 = arith.cmpi sge, %add3A_107, %ge3A : i32
      %sub3A = arith.constant 80 : i32
      %sub3A_109 = arith.subi %add3A_107, %sub3A : i32
      %select_n3A = arith.select %ge3A_108, %sub3A_109, %add3A_107 : i32
      %dma_start3A_110 = arith.constant 0 : i32
      %dma_start3A_111 = tpu.memref_slice %arg6[%select_n3A, %dma_start3A_110] : memref<80x128xi32, #tpu.memory_space<vmem>> -> memref<1x128xi32, #tpu.memory_space<vmem>>
      %dma_start3A_112 = tpu.memref_squeeze %dma_start3A_111 : memref<1x128xi32, #tpu.memory_space<vmem>> -> memref<128xi32, #tpu.memory_space<vmem>>
      %dma_start3A_113 = arith.constant 0 : i32
      %dma_start3A_114 = arith.constant 0 : i32
      %dma_start3A_115 = tpu.memref_slice %arg10[%dma_start3A_113, %dma_start3A_114] : memref<10000x64xf32, #tpu.memory_space<vmem_shared>> -> memref<10000x64xf32, #tpu.memory_space<vmem_shared>>
      tpu.enqueue_indirect_dma source(%dma_start3A_115 : memref<10000x64xf32, #tpu.memory_space<vmem_shared>>) target(%arg8 : memref<128x64xf32, #tpu.memory_space<vmem>>) offsets(%dma_start3A_112 : memref<128xi32, #tpu.memory_space<vmem>>) semaphore(%arg12 : memref<!tpu.dma_semaphore, #tpu.memory_space<semaphore_mem>>)
      %add3A_116 = arith.constant 1 : i32
      %add3A_117 = arith.addi %mul3A_93, %add3A_116 : i32
      %dma_wait3A_118 = arith.constant 0 : i32
      %dma_wait3A_119 = tpu.memref_slice %arg6[%add3A_117, %dma_wait3A_118] : memref<80x128xi32, #tpu.memory_space<vmem>> -> memref<1x128xi32, #tpu.memory_space<vmem>>
      %dma_wait3A_120 = tpu.memref_squeeze %dma_wait3A_119 : memref<1x128xi32, #tpu.memory_space<vmem>> -> memref<128xi32, #tpu.memory_space<vmem>>
      %dma_wait3A_121 = arith.constant 0 : i32
      %dma_wait3A_122 = arith.constant 0 : i32
      %dma_wait3A_123 = tpu.memref_slice %arg10[%dma_wait3A_121, %dma_wait3A_122] : memref<10000x64xf32, #tpu.memory_space<vmem_shared>> -> memref<10000x64xf32, #tpu.memory_space<vmem_shared>>
      tpu.wait_indirect_dma semaphore(%arg13 : memref<!tpu.dma_semaphore, #tpu.memory_space<semaphore_mem>>) src(%dma_wait3A_123 : memref<10000x64xf32, #tpu.memory_space<vmem_shared>>) dst(%arg9 : memref<128x64xf32, #tpu.memory_space<vmem>>)
      %add3A_124 = arith.constant 1 : i32
      %add3A_125 = arith.addi %mul3A_93, %add3A_124 : i32
      "tpu.region"() ({
        %run_scoped3A = tpu.sem_alloc : memref<!tpu.dma_semaphore, #tpu.memory_space<semaphore_mem>>
        %dma_start3A_142 = arith.constant 0 : i32
        %dma_start3A_143 = tpu.memref_slice %arg7[%add3A_125, %dma_start3A_142] : memref<80x128xi32, #tpu.memory_space<vmem>> -> memref<1x128xi32, #tpu.memory_space<vmem>>
        %dma_start3A_144 = tpu.memref_squeeze %dma_start3A_143 : memref<1x128xi32, #tpu.memory_space<vmem>> -> memref<128xi32, #tpu.memory_space<vmem>>
        %dma_start3A_145 = arith.constant 0 : i32
        %dma_start3A_146 = arith.constant 0 : i32
        %dma_start3A_147 = tpu.memref_slice %arg11[%dma_start3A_145, %dma_start3A_146] : memref<10240x64xf32, #tpu.memory_space<vmem_shared>> -> memref<10240x64xf32, #tpu.memory_space<vmem_shared>>
        tpu.enqueue_indirect_dma source(%arg9 : memref<128x64xf32, #tpu.memory_space<vmem>>) target(%dma_start3A_147 : memref<10240x64xf32, #tpu.memory_space<vmem_shared>>) offsets(%dma_start3A_144 : memref<128xi32, #tpu.memory_space<vmem>>) semaphore(%run_scoped3A : memref<!tpu.dma_semaphore, #tpu.memory_space<semaphore_mem>>) {add = true}
        %dma_wait3A_148 = arith.constant 0 : i32
        %dma_wait3A_149 = tpu.memref_slice %arg7[%add3A_125, %dma_wait3A_148] : memref<80x128xi32, #tpu.memory_space<vmem>> -> memref<1x128xi32, #tpu.memory_space<vmem>>
        %dma_wait3A_150 = tpu.memref_squeeze %dma_wait3A_149 : memref<1x128xi32, #tpu.memory_space<vmem>> -> memref<128xi32, #tpu.memory_space<vmem>>
        %dma_wait3A_151 = arith.constant 0 : i32
        %dma_wait3A_152 = arith.constant 0 : i32
        %dma_wait3A_153 = tpu.memref_slice %arg11[%dma_wait3A_151, %dma_wait3A_152] : memref<10240x64xf32, #tpu.memory_space<vmem_shared>> -> memref<10240x64xf32, #tpu.memory_space<vmem_shared>>
        tpu.wait_indirect_dma semaphore(%run_scoped3A : memref<!tpu.dma_semaphore, #tpu.memory_space<semaphore_mem>>) src(%arg9 : memref<128x64xf32, #tpu.memory_space<vmem>>) dst(%dma_wait3A_153 : memref<10240x64xf32, #tpu.memory_space<vmem_shared>>)
        tpu.yield
      }) : () -> ()
      %add3A_126 = arith.constant 1 : i32
      %add3A_127 = arith.addi %mul3A_93, %add3A_126 : i32
      %add3A_128 = arith.constant 2 : i32
      %add3A_129 = arith.addi %add3A_127, %add3A_128 : i32
      %ge3A_130 = arith.constant 80 : i32
      %ge3A_131 = arith.cmpi sge, %add3A_129, %ge3A_130 : i32
      %sub3A_132 = arith.constant 80 : i32
      %sub3A_133 = arith.subi %add3A_129, %sub3A_132 : i32
      %select_n3A_134 = arith.select %ge3A_131, %sub3A_133, %add3A_129 : i32
      %dma_start3A_135 = arith.constant 0 : i32
      %dma_start3A_136 = tpu.memref_slice %arg6[%select_n3A_134, %dma_start3A_135] : memref<80x128xi32, #tpu.memory_space<vmem>> -> memref<1x128xi32, #tpu.memory_space<vmem>>
      %dma_start3A_137 = tpu.memref_squeeze %dma_start3A_136 : memref<1x128xi32, #tpu.memory_space<vmem>> -> memref<128xi32, #tpu.memory_space<vmem>>
      %dma_start3A_138 = arith.constant 0 : i32
      %dma_start3A_139 = arith.constant 0 : i32
      %dma_start3A_140 = tpu.memref_slice %arg10[%dma_start3A_138, %dma_start3A_139] : memref<10000x64xf32, #tpu.memory_space<vmem_shared>> -> memref<10000x64xf32, #tpu.memory_space<vmem_shared>>
      tpu.enqueue_indirect_dma source(%dma_start3A_140 : memref<10000x64xf32, #tpu.memory_space<vmem_shared>>) target(%arg9 : memref<128x64xf32, #tpu.memory_space<vmem>>) offsets(%dma_start3A_137 : memref<128xi32, #tpu.memory_space<vmem>>) semaphore(%arg13 : memref<!tpu.dma_semaphore, #tpu.memory_space<semaphore_mem>>)
      %scan3A_141 = arith.constant 0 : i32
      scf.yield %scan3A_141 : i32
    }
    %scan3A_30 = arith.constant 40 : i32
    %dma_wait3A = arith.constant 0 : i32
    %dma_wait3A_31 = arith.constant 0 : i32
    %dma_wait3A_32 = tpu.memref_slice %arg6[%dma_wait3A, %dma_wait3A_31] : memref<80x128xi32, #tpu.memory_space<vmem>> -> memref<1x128xi32, #tpu.memory_space<vmem>>
    %dma_wait3A_33 = tpu.memref_squeeze %dma_wait3A_32 : memref<1x128xi32, #tpu.memory_space<vmem>> -> memref<128xi32, #tpu.memory_space<vmem>>
    %dma_wait3A_34 = arith.constant 0 : i32
    %dma_wait3A_35 = arith.constant 0 : i32
    %dma_wait3A_36 = tpu.memref_slice %arg10[%dma_wait3A_34, %dma_wait3A_35] : memref<10000x64xf32, #tpu.memory_space<vmem_shared>> -> memref<10000x64xf32, #tpu.memory_space<vmem_shared>>
    tpu.wait_indirect_dma semaphore(%arg12 : memref<!tpu.dma_semaphore, #tpu.memory_space<semaphore_mem>>) src(%dma_wait3A_36 : memref<10000x64xf32, #tpu.memory_space<vmem_shared>>) dst(%arg8 : memref<128x64xf32, #tpu.memory_space<vmem>>)
    %dma_wait3A_37 = arith.constant 1 : i32
    %dma_wait3A_38 = arith.constant 0 : i32
    %dma_wait3A_39 = tpu.memref_slice %arg6[%dma_wait3A_37, %dma_wait3A_38] : memref<80x128xi32, #tpu.memory_space<vmem>> -> memref<1x128xi32, #tpu.memory_space<vmem>>
    %dma_wait3A_40 = tpu.memref_squeeze %dma_wait3A_39 : memref<1x128xi32, #tpu.memory_space<vmem>> -> memref<128xi32, #tpu.memory_space<vmem>>
    %dma_wait3A_41 = arith.constant 0 : i32
    %dma_wait3A_42 = arith.constant 0 : i32
    %dma_wait3A_43 = tpu.memref_slice %arg10[%dma_wait3A_41, %dma_wait3A_42] : memref<10000x64xf32, #tpu.memory_space<vmem_shared>> -> memref<10000x64xf32, #tpu.memory_space<vmem_shared>>
    tpu.wait_indirect_dma semaphore(%arg13 : memref<!tpu.dma_semaphore, #tpu.memory_space<semaphore_mem>>) src(%dma_wait3A_43 : memref<10000x64xf32, #tpu.memory_space<vmem_shared>>) dst(%arg9 : memref<128x64xf32, #tpu.memory_space<vmem>>)
    %mul3A_44 = arith.constant 2 : i32
    %mul3A_45 = arith.muli %arg1, %mul3A_44 : i32
    %mul3A_46 = arith.constant 80 : i32
    %mul3A_47 = arith.muli %mul3A_45, %mul3A_46 : i32
    %add3A_48 = arith.constant 80 : i32
    %add3A_49 = arith.addi %mul3A_47, %add3A_48 : i32
    "tpu.region"() ({
      %run_scoped3A = tpu.sem_alloc : memref<!tpu.dma_semaphore, #tpu.memory_space<semaphore_mem>>
      %dma_start3A_90 = arith.constant 0 : i32
      %dma_start3A_91 = tpu.memref_slice %arg3[%add3A_49, %dma_start3A_90] : memref<2560x128xi32, #tpu.memory_space<hbm>> -> memref<80x128xi32, #tpu.memory_space<hbm>>
      %dma_start3A_92 = arith.constant 0 : i32
      %dma_start3A_93 = tpu.memref_slice %arg3[%add3A_49, %dma_start3A_92] : memref<2560x128xi32, #tpu.memory_space<hbm>> -> memref<80x128xi32, #tpu.memory_space<hbm>>
      tpu.enqueue_dma source(%dma_start3A_93 : memref<80x128xi32, #tpu.memory_space<hbm>>) target(%arg6 : memref<80x128xi32, #tpu.memory_space<vmem>>) target_semaphore(%run_scoped3A : memref<!tpu.dma_semaphore, #tpu.memory_space<semaphore_mem>>)
      %dma_wait3A_94 = arith.constant 0 : i32
      %dma_wait3A_95 = tpu.memref_slice %arg3[%add3A_49, %dma_wait3A_94] : memref<2560x128xi32, #tpu.memory_space<hbm>> -> memref<80x128xi32, #tpu.memory_space<hbm>>
      %dma_wait3A_96 = arith.constant 0 : i32
      %dma_wait3A_97 = tpu.memref_slice %arg3[%add3A_49, %dma_wait3A_96] : memref<2560x128xi32, #tpu.memory_space<hbm>> -> memref<80x128xi32, #tpu.memory_space<hbm>>
      tpu.wait_dma2 semaphore(%run_scoped3A : memref<!tpu.dma_semaphore, #tpu.memory_space<semaphore_mem>>) src(%dma_wait3A_97 : memref<80x128xi32, #tpu.memory_space<hbm>>) dst(%arg6 : memref<80x128xi32, #tpu.memory_space<vmem>>)
      tpu.yield
    }) : () -> ()
    "tpu.region"() ({
      %run_scoped3A = tpu.sem_alloc : memref<!tpu.dma_semaphore, #tpu.memory_space<semaphore_mem>>
      %dma_start3A_90 = arith.constant 0 : i32
      %dma_start3A_91 = tpu.memref_slice %arg4[%add3A_49, %dma_start3A_90] : memref<2560x128xi32, #tpu.memory_space<hbm>> -> memref<80x128xi32, #tpu.memory_space<hbm>>
      %dma_start3A_92 = arith.constant 0 : i32
      %dma_start3A_93 = tpu.memref_slice %arg4[%add3A_49, %dma_start3A_92] : memref<2560x128xi32, #tpu.memory_space<hbm>> -> memref<80x128xi32, #tpu.memory_space<hbm>>
      tpu.enqueue_dma source(%dma_start3A_93 : memref<80x128xi32, #tpu.memory_space<hbm>>) target(%arg7 : memref<80x128xi32, #tpu.memory_space<vmem>>) target_semaphore(%run_scoped3A : memref<!tpu.dma_semaphore, #tpu.memory_space<semaphore_mem>>)
      %dma_wait3A_94 = arith.constant 0 : i32
      %dma_wait3A_95 = tpu.memref_slice %arg4[%add3A_49, %dma_wait3A_94] : memref<2560x128xi32, #tpu.memory_space<hbm>> -> memref<80x128xi32, #tpu.memory_space<hbm>>
      %dma_wait3A_96 = arith.constant 0 : i32
      %dma_wait3A_97 = tpu.memref_slice %arg4[%add3A_49, %dma_wait3A_96] : memref<2560x128xi32, #tpu.memory_space<hbm>> -> memref<80x128xi32, #tpu.memory_space<hbm>>
      tpu.wait_dma2 semaphore(%run_scoped3A : memref<!tpu.dma_semaphore, #tpu.memory_space<semaphore_mem>>) src(%dma_wait3A_97 : memref<80x128xi32, #tpu.memory_space<hbm>>) dst(%arg7 : memref<80x128xi32, #tpu.memory_space<vmem>>)
      tpu.yield
    }) : () -> ()
    %dma_start3A_50 = arith.constant 0 : i32
    %dma_start3A_51 = arith.constant 0 : i32
    %dma_start3A_52 = tpu.memref_slice %arg6[%dma_start3A_50, %dma_start3A_51] : memref<80x128xi32, #tpu.memory_space<vmem>> -> memref<1x128xi32, #tpu.memory_space<vmem>>
    %dma_start3A_53 = tpu.memref_squeeze %dma_start3A_52 : memref<1x128xi32, #tpu.memory_space<vmem>> -> memref<128xi32, #tpu.memory_space<vmem>>
    %dma_start3A_54 = arith.constant 0 : i32
    %dma_start3A_55 = arith.constant 0 : i32
    %dma_start3A_56 = tpu.memref_slice %arg10[%dma_start3A_54, %dma_start3A_55] : memref<10000x64xf32, #tpu.memory_space<vmem_shared>> -> memref<10000x64xf32, #tpu.memory_space<vmem_shared>>
    tpu.enqueue_indirect_dma source(%dma_start3A_56 : memref<10000x64xf32, #tpu.memory_space<vmem_shared>>) target(%arg8 : memref<128x64xf32, #tpu.memory_space<vmem>>) offsets(%dma_start3A_53 : memref<128xi32, #tpu.memory_space<vmem>>) semaphore(%arg12 : memref<!tpu.dma_semaphore, #tpu.memory_space<semaphore_mem>>)
    %dma_start3A_57 = arith.constant 1 : i32
    %dma_start3A_58 = arith.constant 0 : i32
    %dma_start3A_59 = tpu.memref_slice %arg6[%dma_start3A_57, %dma_start3A_58] : memref<80x128xi32, #tpu.memory_space<vmem>> -> memref<1x128xi32, #tpu.memory_space<vmem>>
    %dma_start3A_60 = tpu.memref_squeeze %dma_start3A_59 : memref<1x128xi32, #tpu.memory_space<vmem>> -> memref<128xi32, #tpu.memory_space<vmem>>
    %dma_start3A_61 = arith.constant 0 : i32
    %dma_start3A_62 = arith.constant 0 : i32
    %dma_start3A_63 = tpu.memref_slice %arg10[%dma_start3A_61, %dma_start3A_62] : memref<10000x64xf32, #tpu.memory_space<vmem_shared>> -> memref<10000x64xf32, #tpu.memory_space<vmem_shared>>
    tpu.enqueue_indirect_dma source(%dma_start3A_63 : memref<10000x64xf32, #tpu.memory_space<vmem_shared>>) target(%arg9 : memref<128x64xf32, #tpu.memory_space<vmem>>) offsets(%dma_start3A_60 : memref<128xi32, #tpu.memory_space<vmem>>) semaphore(%arg13 : memref<!tpu.dma_semaphore, #tpu.memory_space<semaphore_mem>>)
    %scan3A_64 = arith.constant 0 : i32
    %scan3A_65 = arith.constant 0 : i32
    %scan3A_66 = arith.constant 40 : i32
    %scan3A_67 = arith.addi %scan3A_65, %scan3A_66 : i32
    %scan3A_68 = arith.constant 1 : i32
    %scan3A_69 = scf.for %scan3A_90 = %scan3A_65 to %scan3A_67 step %scan3A_68 iter_args(%scan3A_91 = %scan3A_64) -> (i32)  : i32 {
      %mul3A_92 = arith.constant 2 : i32
      %mul3A_93 = arith.muli %mul3A_92, %scan3A_90 : i32
      %add3A_94 = arith.constant 0 : i32
      %add3A_95 = arith.addi %mul3A_93, %add3A_94 : i32
      %dma_wait3A_96 = arith.constant 0 : i32
      %dma_wait3A_97 = tpu.memref_slice %arg6[%add3A_95, %dma_wait3A_96] : memref<80x128xi32, #tpu.memory_space<vmem>> -> memref<1x128xi32, #tpu.memory_space<vmem>>
      %dma_wait3A_98 = tpu.memref_squeeze %dma_wait3A_97 : memref<1x128xi32, #tpu.memory_space<vmem>> -> memref<128xi32, #tpu.memory_space<vmem>>
      %dma_wait3A_99 = arith.constant 0 : i32
      %dma_wait3A_100 = arith.constant 0 : i32
      %dma_wait3A_101 = tpu.memref_slice %arg10[%dma_wait3A_99, %dma_wait3A_100] : memref<10000x64xf32, #tpu.memory_space<vmem_shared>> -> memref<10000x64xf32, #tpu.memory_space<vmem_shared>>
      tpu.wait_indirect_dma semaphore(%arg12 : memref<!tpu.dma_semaphore, #tpu.memory_space<semaphore_mem>>) src(%dma_wait3A_101 : memref<10000x64xf32, #tpu.memory_space<vmem_shared>>) dst(%arg8 : memref<128x64xf32, #tpu.memory_space<vmem>>)
      %add3A_102 = arith.constant 0 : i32
      %add3A_103 = arith.addi %mul3A_93, %add3A_102 : i32
      "tpu.region"() ({
        %run_scoped3A = tpu.sem_alloc : memref<!tpu.dma_semaphore, #tpu.memory_space<semaphore_mem>>
        %dma_start3A_142 = arith.constant 0 : i32
        %dma_start3A_143 = tpu.memref_slice %arg7[%add3A_103, %dma_start3A_142] : memref<80x128xi32, #tpu.memory_space<vmem>> -> memref<1x128xi32, #tpu.memory_space<vmem>>
        %dma_start3A_144 = tpu.memref_squeeze %dma_start3A_143 : memref<1x128xi32, #tpu.memory_space<vmem>> -> memref<128xi32, #tpu.memory_space<vmem>>
        %dma_start3A_145 = arith.constant 0 : i32
        %dma_start3A_146 = arith.constant 0 : i32
        %dma_start3A_147 = tpu.memref_slice %arg11[%dma_start3A_145, %dma_start3A_146] : memref<10240x64xf32, #tpu.memory_space<vmem_shared>> -> memref<10240x64xf32, #tpu.memory_space<vmem_shared>>
        tpu.enqueue_indirect_dma source(%arg8 : memref<128x64xf32, #tpu.memory_space<vmem>>) target(%dma_start3A_147 : memref<10240x64xf32, #tpu.memory_space<vmem_shared>>) offsets(%dma_start3A_144 : memref<128xi32, #tpu.memory_space<vmem>>) semaphore(%run_scoped3A : memref<!tpu.dma_semaphore, #tpu.memory_space<semaphore_mem>>) {add = true}
        %dma_wait3A_148 = arith.constant 0 : i32
        %dma_wait3A_149 = tpu.memref_slice %arg7[%add3A_103, %dma_wait3A_148] : memref<80x128xi32, #tpu.memory_space<vmem>> -> memref<1x128xi32, #tpu.memory_space<vmem>>
        %dma_wait3A_150 = tpu.memref_squeeze %dma_wait3A_149 : memref<1x128xi32, #tpu.memory_space<vmem>> -> memref<128xi32, #tpu.memory_space<vmem>>
        %dma_wait3A_151 = arith.constant 0 : i32
        %dma_wait3A_152 = arith.constant 0 : i32
        %dma_wait3A_153 = tpu.memref_slice %arg11[%dma_wait3A_151, %dma_wait3A_152] : memref<10240x64xf32, #tpu.memory_space<vmem_shared>> -> memref<10240x64xf32, #tpu.memory_space<vmem_shared>>
        tpu.wait_indirect_dma semaphore(%run_scoped3A : memref<!tpu.dma_semaphore, #tpu.memory_space<semaphore_mem>>) src(%arg8 : memref<128x64xf32, #tpu.memory_space<vmem>>) dst(%dma_wait3A_153 : memref<10240x64xf32, #tpu.memory_space<vmem_shared>>)
        tpu.yield
      }) : () -> ()
      %add3A_104 = arith.constant 0 : i32
      %add3A_105 = arith.addi %mul3A_93, %add3A_104 : i32
      %add3A_106 = arith.constant 2 : i32
      %add3A_107 = arith.addi %add3A_105, %add3A_106 : i32
      %ge3A = arith.constant 80 : i32
      %ge3A_108 = arith.cmpi sge, %add3A_107, %ge3A : i32
      %sub3A = arith.constant 80 : i32
      %sub3A_109 = arith.subi %add3A_107, %sub3A : i32
      %select_n3A = arith.select %ge3A_108, %sub3A_109, %add3A_107 : i32
      %dma_start3A_110 = arith.constant 0 : i32
      %dma_start3A_111 = tpu.memref_slice %arg6[%select_n3A, %dma_start3A_110] : memref<80x128xi32, #tpu.memory_space<vmem>> -> memref<1x128xi32, #tpu.memory_space<vmem>>
      %dma_start3A_112 = tpu.memref_squeeze %dma_start3A_111 : memref<1x128xi32, #tpu.memory_space<vmem>> -> memref<128xi32, #tpu.memory_space<vmem>>
      %dma_start3A_113 = arith.constant 0 : i32
      %dma_start3A_114 = arith.constant 0 : i32
      %dma_start3A_115 = tpu.memref_slice %arg10[%dma_start3A_113, %dma_start3A_114] : memref<10000x64xf32, #tpu.memory_space<vmem_shared>> -> memref<10000x64xf32, #tpu.memory_space<vmem_shared>>
      tpu.enqueue_indirect_dma source(%dma_start3A_115 : memref<10000x64xf32, #tpu.memory_space<vmem_shared>>) target(%arg8 : memref<128x64xf32, #tpu.memory_space<vmem>>) offsets(%dma_start3A_112 : memref<128xi32, #tpu.memory_space<vmem>>) semaphore(%arg12 : memref<!tpu.dma_semaphore, #tpu.memory_space<semaphore_mem>>)
      %add3A_116 = arith.constant 1 : i32
      %add3A_117 = arith.addi %mul3A_93, %add3A_116 : i32
      %dma_wait3A_118 = arith.constant 0 : i32
      %dma_wait3A_119 = tpu.memref_slice %arg6[%add3A_117, %dma_wait3A_118] : memref<80x128xi32, #tpu.memory_space<vmem>> -> memref<1x128xi32, #tpu.memory_space<vmem>>
      %dma_wait3A_120 = tpu.memref_squeeze %dma_wait3A_119 : memref<1x128xi32, #tpu.memory_space<vmem>> -> memref<128xi32, #tpu.memory_space<vmem>>
      %dma_wait3A_121 = arith.constant 0 : i32
      %dma_wait3A_122 = arith.constant 0 : i32
      %dma_wait3A_123 = tpu.memref_slice %arg10[%dma_wait3A_121, %dma_wait3A_122] : memref<10000x64xf32, #tpu.memory_space<vmem_shared>> -> memref<10000x64xf32, #tpu.memory_space<vmem_shared>>
      tpu.wait_indirect_dma semaphore(%arg13 : memref<!tpu.dma_semaphore, #tpu.memory_space<semaphore_mem>>) src(%dma_wait3A_123 : memref<10000x64xf32, #tpu.memory_space<vmem_shared>>) dst(%arg9 : memref<128x64xf32, #tpu.memory_space<vmem>>)
      %add3A_124 = arith.constant 1 : i32
      %add3A_125 = arith.addi %mul3A_93, %add3A_124 : i32
      "tpu.region"() ({
        %run_scoped3A = tpu.sem_alloc : memref<!tpu.dma_semaphore, #tpu.memory_space<semaphore_mem>>
        %dma_start3A_142 = arith.constant 0 : i32
        %dma_start3A_143 = tpu.memref_slice %arg7[%add3A_125, %dma_start3A_142] : memref<80x128xi32, #tpu.memory_space<vmem>> -> memref<1x128xi32, #tpu.memory_space<vmem>>
        %dma_start3A_144 = tpu.memref_squeeze %dma_start3A_143 : memref<1x128xi32, #tpu.memory_space<vmem>> -> memref<128xi32, #tpu.memory_space<vmem>>
        %dma_start3A_145 = arith.constant 0 : i32
        %dma_start3A_146 = arith.constant 0 : i32
        %dma_start3A_147 = tpu.memref_slice %arg11[%dma_start3A_145, %dma_start3A_146] : memref<10240x64xf32, #tpu.memory_space<vmem_shared>> -> memref<10240x64xf32, #tpu.memory_space<vmem_shared>>
        tpu.enqueue_indirect_dma source(%arg9 : memref<128x64xf32, #tpu.memory_space<vmem>>) target(%dma_start3A_147 : memref<10240x64xf32, #tpu.memory_space<vmem_shared>>) offsets(%dma_start3A_144 : memref<128xi32, #tpu.memory_space<vmem>>) semaphore(%run_scoped3A : memref<!tpu.dma_semaphore, #tpu.memory_space<semaphore_mem>>) {add = true}
        %dma_wait3A_148 = arith.constant 0 : i32
        %dma_wait3A_149 = tpu.memref_slice %arg7[%add3A_125, %dma_wait3A_148] : memref<80x128xi32, #tpu.memory_space<vmem>> -> memref<1x128xi32, #tpu.memory_space<vmem>>
        %dma_wait3A_150 = tpu.memref_squeeze %dma_wait3A_149 : memref<1x128xi32, #tpu.memory_space<vmem>> -> memref<128xi32, #tpu.memory_space<vmem>>
        %dma_wait3A_151 = arith.constant 0 : i32
        %dma_wait3A_152 = arith.constant 0 : i32
        %dma_wait3A_153 = tpu.memref_slice %arg11[%dma_wait3A_151, %dma_wait3A_152] : memref<10240x64xf32, #tpu.memory_space<vmem_shared>> -> memref<10240x64xf32, #tpu.memory_space<vmem_shared>>
        tpu.wait_indirect_dma semaphore(%run_scoped3A : memref<!tpu.dma_semaphore, #tpu.memory_space<semaphore_mem>>) src(%arg9 : memref<128x64xf32, #tpu.memory_space<vmem>>) dst(%dma_wait3A_153 : memref<10240x64xf32, #tpu.memory_space<vmem_shared>>)
        tpu.yield
      }) : () -> ()
      %add3A_126 = arith.constant 1 : i32
      %add3A_127 = arith.addi %mul3A_93, %add3A_126 : i32
      %add3A_128 = arith.constant 2 : i32
      %add3A_129 = arith.addi %add3A_127, %add3A_128 : i32
      %ge3A_130 = arith.constant 80 : i32
      %ge3A_131 = arith.cmpi sge, %add3A_129, %ge3A_130 : i32
      %sub3A_132 = arith.constant 80 : i32
      %sub3A_133 = arith.subi %add3A_129, %sub3A_132 : i32
      %select_n3A_134 = arith.select %ge3A_131, %sub3A_133, %add3A_129 : i32
      %dma_start3A_135 = arith.constant 0 : i32
      %dma_start3A_136 = tpu.memref_slice %arg6[%select_n3A_134, %dma_start3A_135] : memref<80x128xi32, #tpu.memory_space<vmem>> -> memref<1x128xi32, #tpu.memory_space<vmem>>
      %dma_start3A_137 = tpu.memref_squeeze %dma_start3A_136 : memref<1x128xi32, #tpu.memory_space<vmem>> -> memref<128xi32, #tpu.memory_space<vmem>>
      %dma_start3A_138 = arith.constant 0 : i32
      %dma_start3A_139 = arith.constant 0 : i32
      %dma_start3A_140 = tpu.memref_slice %arg10[%dma_start3A_138, %dma_start3A_139] : memref<10000x64xf32, #tpu.memory_space<vmem_shared>> -> memref<10000x64xf32, #tpu.memory_space<vmem_shared>>
      tpu.enqueue_indirect_dma source(%dma_start3A_140 : memref<10000x64xf32, #tpu.memory_space<vmem_shared>>) target(%arg9 : memref<128x64xf32, #tpu.memory_space<vmem>>) offsets(%dma_start3A_137 : memref<128xi32, #tpu.memory_space<vmem>>) semaphore(%arg13 : memref<!tpu.dma_semaphore, #tpu.memory_space<semaphore_mem>>)
      %scan3A_141 = arith.constant 0 : i32
      scf.yield %scan3A_141 : i32
    }
    %scan3A_70 = arith.constant 40 : i32
    %dma_wait3A_71 = arith.constant 0 : i32
    %dma_wait3A_72 = arith.constant 0 : i32
    %dma_wait3A_73 = tpu.memref_slice %arg6[%dma_wait3A_71, %dma_wait3A_72] : memref<80x128xi32, #tpu.memory_space<vmem>> -> memref<1x128xi32, #tpu.memory_space<vmem>>
    %dma_wait3A_74 = tpu.memref_squeeze %dma_wait3A_73 : memref<1x128xi32, #tpu.memory_space<vmem>> -> memref<128xi32, #tpu.memory_space<vmem>>
    %dma_wait3A_75 = arith.constant 0 : i32
    %dma_wait3A_76 = arith.constant 0 : i32
    %dma_wait3A_77 = tpu.memref_slice %arg10[%dma_wait3A_75, %dma_wait3A_76] : memref<10000x64xf32, #tpu.memory_space<vmem_shared>> -> memref<10000x64xf32, #tpu.memory_space<vmem_shared>>
    tpu.wait_indirect_dma semaphore(%arg12 : memref<!tpu.dma_semaphore, #tpu.memory_space<semaphore_mem>>) src(%dma_wait3A_77 : memref<10000x64xf32, #tpu.memory_space<vmem_shared>>) dst(%arg8 : memref<128x64xf32, #tpu.memory_space<vmem>>)
    %dma_wait3A_78 = arith.constant 1 : i32
    %dma_wait3A_79 = arith.constant 0 : i32
    %dma_wait3A_80 = tpu.memref_slice %arg6[%dma_wait3A_78, %dma_wait3A_79] : memref<80x128xi32, #tpu.memory_space<vmem>> -> memref<1x128xi32, #tpu.memory_space<vmem>>
    %dma_wait3A_81 = tpu.memref_squeeze %dma_wait3A_80 : memref<1x128xi32, #tpu.memory_space<vmem>> -> memref<128xi32, #tpu.memory_space<vmem>>
    %dma_wait3A_82 = arith.constant 0 : i32
    %dma_wait3A_83 = arith.constant 0 : i32
    %dma_wait3A_84 = tpu.memref_slice %arg10[%dma_wait3A_82, %dma_wait3A_83] : memref<10000x64xf32, #tpu.memory_space<vmem_shared>> -> memref<10000x64xf32, #tpu.memory_space<vmem_shared>>
    tpu.wait_indirect_dma semaphore(%arg13 : memref<!tpu.dma_semaphore, #tpu.memory_space<semaphore_mem>>) src(%dma_wait3A_84 : memref<10000x64xf32, #tpu.memory_space<vmem_shared>>) dst(%arg9 : memref<128x64xf32, #tpu.memory_space<vmem>>)
    %barrier3A_85 = arith.constant 0 : index
    tpu.barrier barrier_id(%barrier3A_85)
    %mul3A_86 = arith.constant 640 : i32
    %mul3A_87 = arith.muli %arg1, %mul3A_86 : i32
    %mul3A_88 = arith.constant 640 : i32
    %mul3A_89 = arith.muli %arg1, %mul3A_88 : i32
    "tpu.region"() ({
      %run_scoped3A = tpu.sem_alloc : memref<!tpu.dma_semaphore, #tpu.memory_space<semaphore_mem>>
      %dma_start3A_90 = arith.constant 0 : i32
      %dma_start3A_91 = tpu.memref_slice %arg5[%arg0, %mul3A_89, %dma_start3A_90] : memref<2x10240x64xf32, #tpu.memory_space<hbm>> -> memref<1x640x64xf32, #tpu.memory_space<hbm>>
      %dma_start3A_92 = tpu.memref_squeeze %dma_start3A_91 : memref<1x640x64xf32, #tpu.memory_space<hbm>> -> memref<640x64xf32, #tpu.memory_space<hbm>>
      %dma_start3A_93 = arith.constant 0 : i32
      %dma_start3A_94 = tpu.memref_slice %arg11[%mul3A_87, %dma_start3A_93] : memref<10240x64xf32, #tpu.memory_space<vmem_shared>> -> memref<640x64xf32, #tpu.memory_space<vmem_shared>>
      tpu.enqueue_dma source(%dma_start3A_94 : memref<640x64xf32, #tpu.memory_space<vmem_shared>>) target(%dma_start3A_92 : memref<640x64xf32, #tpu.memory_space<hbm>>) target_semaphore(%run_scoped3A : memref<!tpu.dma_semaphore, #tpu.memory_space<semaphore_mem>>)
      %dma_wait3A_95 = arith.constant 0 : i32
      %dma_wait3A_96 = tpu.memref_slice %arg5[%arg0, %mul3A_89, %dma_wait3A_95] : memref<2x10240x64xf32, #tpu.memory_space<hbm>> -> memref<1x640x64xf32, #tpu.memory_space<hbm>>
      %dma_wait3A_97 = tpu.memref_squeeze %dma_wait3A_96 : memref<1x640x64xf32, #tpu.memory_space<hbm>> -> memref<640x64xf32, #tpu.memory_space<hbm>>
      %dma_wait3A_98 = arith.constant 0 : i32
      %dma_wait3A_99 = tpu.memref_slice %arg11[%mul3A_87, %dma_wait3A_98] : memref<10240x64xf32, #tpu.memory_space<vmem_shared>> -> memref<640x64xf32, #tpu.memory_space<vmem_shared>>
      tpu.wait_dma2 semaphore(%run_scoped3A : memref<!tpu.dma_semaphore, #tpu.memory_space<semaphore_mem>>) src(%dma_wait3A_99 : memref<640x64xf32, #tpu.memory_space<vmem_shared>>) dst(%dma_wait3A_97 : memref<640x64xf32, #tpu.memory_space<hbm>>)
      tpu.yield
    }) : () -> ()
    return
  }
}

#map = affine_map<(d0, d1) -> (0, 0)>
#map1 = affine_map<(d0, d1) -> (0, 0, 0)>
module attributes {stable_mosaic.version = 14 : i64} {
  func.func @k(%arg0: i32, %arg1: i32, %arg2: memref<2560x128xi32, #tpu.memory_space<hbm>>, %arg3: memref<2x10240x16xf32, #tpu.memory_space<hbm>>, %arg4: memref<80x128xi32, #tpu.memory_space<vmem>>, %arg5: memref<128x16xf32, #tpu.memory_space<vmem>>, %arg6: memref<128x16xf32, #tpu.memory_space<vmem>>, %arg7: memref<10240x16xf32, #tpu.memory_space<vmem_shared>>, %arg8: memref<!tpu.dma_semaphore, #tpu.memory_space<semaphore_mem>>) attributes {dimension_semantics = [#tpu.dimension_semantics<core_parallel>, #tpu.dimension_semantics<subcore_parallel>], iteration_bounds = array<i64: 2, 16>, scalar_prefetch = 0 : i64, scratch_operands = 5 : i64, tpu.core_type = #tpu.core_type<sc_vector_subcore>, window_params = [{transform_indices = #map}, {transform_indices = #map1}]} {
    %mul3A = arith.constant 2 : i32
    %mul3A_0 = arith.muli %arg1, %mul3A : i32
    %add3A = arith.addi %mul3A_0, %arg0 : i32
    %mul3A_1 = arith.constant 80 : i32
    %mul3A_2 = arith.muli %add3A, %mul3A_1 : i32
    "tpu.region"() ({
      %run_scoped3A = tpu.sem_alloc : memref<!tpu.dma_semaphore, #tpu.memory_space<semaphore_mem>>
      %dma_start3A = arith.constant 0 : i32
      %dma_start3A_159 = tpu.memref_slice %arg2[%mul3A_2, %dma_start3A] : memref<2560x128xi32, #tpu.memory_space<hbm>> -> memref<80x128xi32, #tpu.memory_space<hbm>>
      %dma_start3A_160 = arith.constant 0 : i32
      %dma_start3A_161 = tpu.memref_slice %arg2[%mul3A_2, %dma_start3A_160] : memref<2560x128xi32, #tpu.memory_space<hbm>> -> memref<80x128xi32, #tpu.memory_space<hbm>>
      tpu.enqueue_dma source(%dma_start3A_161 : memref<80x128xi32, #tpu.memory_space<hbm>>) target(%arg4 : memref<80x128xi32, #tpu.memory_space<vmem>>) target_semaphore(%run_scoped3A : memref<!tpu.dma_semaphore, #tpu.memory_space<semaphore_mem>>)
      %dma_wait3A_162 = arith.constant 0 : i32
      %dma_wait3A_163 = tpu.memref_slice %arg2[%mul3A_2, %dma_wait3A_162] : memref<2560x128xi32, #tpu.memory_space<hbm>> -> memref<80x128xi32, #tpu.memory_space<hbm>>
      %dma_wait3A_164 = arith.constant 0 : i32
      %dma_wait3A_165 = tpu.memref_slice %arg2[%mul3A_2, %dma_wait3A_164] : memref<2560x128xi32, #tpu.memory_space<hbm>> -> memref<80x128xi32, #tpu.memory_space<hbm>>
      tpu.wait_dma2 semaphore(%run_scoped3A : memref<!tpu.dma_semaphore, #tpu.memory_space<semaphore_mem>>) src(%dma_wait3A_165 : memref<80x128xi32, #tpu.memory_space<hbm>>) dst(%arg4 : memref<80x128xi32, #tpu.memory_space<vmem>>)
      tpu.yield
    }) : () -> ()
    %scan3A = arith.constant 0 : i32
    %scan3A_3 = arith.constant 0 : i32
    %scan3A_4 = arith.constant 128 : i32
    %scan3A_5 = arith.addi %scan3A_3, %scan3A_4 : i32
    %scan3A_6 = arith.constant 1 : i32
    %scan3A_7 = scf.for %scan3A_159 = %scan3A_3 to %scan3A_5 step %scan3A_6 iter_args(%scan3A_160 = %scan3A) -> (i32)  : i32 {
      %broadcast_in_dim3A = arith.constant 1.000000e+00 : f32
      %broadcast_in_dim3A_161 = vector.broadcast %broadcast_in_dim3A : f32 to vector<16xf32>
      %swap3A = arith.index_cast %scan3A_159 : i32 to index
      %swap3A_162 = arith.constant 0 : index
      %swap3A_163 = tpu.vector_load %arg5[%swap3A, %swap3A_162] {strides = array<i32>} : memref<128x16xf32, #tpu.memory_space<vmem>>, vector<1x16xf32>,
      %swap3A_164 = vector.shape_cast %swap3A_163 : vector<1x16xf32> to vector<16xf32>
      %swap3A_165 = vector.shape_cast %broadcast_in_dim3A_161 : vector<16xf32> to vector<1x16xf32>
      tpu.vector_store %arg5[%swap3A, %swap3A_162], %swap3A_165 {strides = array<i32>} : memref<128x16xf32, #tpu.memory_space<vmem>>, vector<1x16xf32>,
      %scan3A_166 = arith.constant 0 : i32
      scf.yield %scan3A_166 : i32
    }
    %scan3A_8 = arith.constant 128 : i32
    %scan3A_9 = arith.constant 0 : i32
    %scan3A_10 = arith.constant 0 : i32
    %scan3A_11 = arith.constant 128 : i32
    %scan3A_12 = arith.addi %scan3A_10, %scan3A_11 : i32
    %scan3A_13 = arith.constant 1 : i32
    %scan3A_14 = scf.for %scan3A_159 = %scan3A_10 to %scan3A_12 step %scan3A_13 iter_args(%scan3A_160 = %scan3A_9) -> (i32)  : i32 {
      %broadcast_in_dim3A = arith.constant 0.000000e+00 : f32
      %broadcast_in_dim3A_161 = vector.broadcast %broadcast_in_dim3A : f32 to vector<16xf32>
      %swap3A = arith.index_cast %scan3A_159 : i32 to index
      %swap3A_162 = arith.constant 0 : index
      %swap3A_163 = tpu.vector_load %arg6[%swap3A, %swap3A_162] {strides = array<i32>} : memref<128x16xf32, #tpu.memory_space<vmem>>, vector<1x16xf32>,
      %swap3A_164 = vector.shape_cast %swap3A_163 : vector<1x16xf32> to vector<16xf32>
      %swap3A_165 = vector.shape_cast %broadcast_in_dim3A_161 : vector<16xf32> to vector<1x16xf32>
      tpu.vector_store %arg6[%swap3A, %swap3A_162], %swap3A_165 {strides = array<i32>} : memref<128x16xf32, #tpu.memory_space<vmem>>, vector<1x16xf32>,
      %scan3A_166 = arith.constant 0 : i32
      scf.yield %scan3A_166 : i32
    }
    %scan3A_15 = arith.constant 128 : i32
    %mul3A_16 = arith.constant 640 : i32
    %mul3A_17 = arith.muli %arg1, %mul3A_16 : i32
    %add3A_18 = arith.constant 0 : i32
    %add3A_19 = arith.addi %mul3A_17, %add3A_18 : i32
    "tpu.region"() ({
      %run_scoped3A = tpu.sem_alloc : memref<!tpu.dma_semaphore, #tpu.memory_space<semaphore_mem>>
      %dma_start3A = arith.constant 0 : i32
      %dma_start3A_159 = tpu.memref_slice %arg7[%add3A_19, %dma_start3A] : memref<10240x16xf32, #tpu.memory_space<vmem_shared>> -> memref<128x16xf32, #tpu.memory_space<vmem_shared>>
      %dma_start3A_160 = arith.constant 0 : i32
      %dma_start3A_161 = tpu.memref_slice %arg7[%add3A_19, %dma_start3A_160] : memref<10240x16xf32, #tpu.memory_space<vmem_shared>> -> memref<128x16xf32, #tpu.memory_space<vmem_shared>>
      tpu.enqueue_dma source(%arg6 : memref<128x16xf32, #tpu.memory_space<vmem>>) target(%dma_start3A_161 : memref<128x16xf32, #tpu.memory_space<vmem_shared>>) target_semaphore(%run_scoped3A : memref<!tpu.dma_semaphore, #tpu.memory_space<semaphore_mem>>)
      %dma_wait3A_162 = arith.constant 0 : i32
      %dma_wait3A_163 = tpu.memref_slice %arg7[%add3A_19, %dma_wait3A_162] : memref<10240x16xf32, #tpu.memory_space<vmem_shared>> -> memref<128x16xf32, #tpu.memory_space<vmem_shared>>
      %dma_wait3A_164 = arith.constant 0 : i32
      %dma_wait3A_165 = tpu.memref_slice %arg7[%add3A_19, %dma_wait3A_164] : memref<10240x16xf32, #tpu.memory_space<vmem_shared>> -> memref<128x16xf32, #tpu.memory_space<vmem_shared>>
      tpu.wait_dma2 semaphore(%run_scoped3A : memref<!tpu.dma_semaphore, #tpu.memory_space<semaphore_mem>>) src(%arg6 : memref<128x16xf32, #tpu.memory_space<vmem>>) dst(%dma_wait3A_165 : memref<128x16xf32, #tpu.memory_space<vmem_shared>>)
      tpu.yield
    }) : () -> ()
    %mul3A_20 = arith.constant 640 : i32
    %mul3A_21 = arith.muli %arg1, %mul3A_20 : i32
    %add3A_22 = arith.constant 128 : i32
    %add3A_23 = arith.addi %mul3A_21, %add3A_22 : i32
    "tpu.region"() ({
      %run_scoped3A = tpu.sem_alloc : memref<!tpu.dma_semaphore, #tpu.memory_space<semaphore_mem>>
      %dma_start3A = arith.constant 0 : i32
      %dma_start3A_159 = tpu.memref_slice %arg7[%add3A_23, %dma_start3A] : memref<10240x16xf32, #tpu.memory_space<vmem_shared>> -> memref<128x16xf32, #tpu.memory_space<vmem_shared>>
      %dma_start3A_160 = arith.constant 0 : i32
      %dma_start3A_161 = tpu.memref_slice %arg7[%add3A_23, %dma_start3A_160] : memref<10240x16xf32, #tpu.memory_space<vmem_shared>> -> memref<128x16xf32, #tpu.memory_space<vmem_shared>>
      tpu.enqueue_dma source(%arg6 : memref<128x16xf32, #tpu.memory_space<vmem>>) target(%dma_start3A_161 : memref<128x16xf32, #tpu.memory_space<vmem_shared>>) target_semaphore(%run_scoped3A : memref<!tpu.dma_semaphore, #tpu.memory_space<semaphore_mem>>)
      %dma_wait3A_162 = arith.constant 0 : i32
      %dma_wait3A_163 = tpu.memref_slice %arg7[%add3A_23, %dma_wait3A_162] : memref<10240x16xf32, #tpu.memory_space<vmem_shared>> -> memref<128x16xf32, #tpu.memory_space<vmem_shared>>
      %dma_wait3A_164 = arith.constant 0 : i32
      %dma_wait3A_165 = tpu.memref_slice %arg7[%add3A_23, %dma_wait3A_164] : memref<10240x16xf32, #tpu.memory_space<vmem_shared>> -> memref<128x16xf32, #tpu.memory_space<vmem_shared>>
      tpu.wait_dma2 semaphore(%run_scoped3A : memref<!tpu.dma_semaphore, #tpu.memory_space<semaphore_mem>>) src(%arg6 : memref<128x16xf32, #tpu.memory_space<vmem>>) dst(%dma_wait3A_165 : memref<128x16xf32, #tpu.memory_space<vmem_shared>>)
      tpu.yield
    }) : () -> ()
    %mul3A_24 = arith.constant 640 : i32
    %mul3A_25 = arith.muli %arg1, %mul3A_24 : i32
    %add3A_26 = arith.constant 256 : i32
    %add3A_27 = arith.addi %mul3A_25, %add3A_26 : i32
    "tpu.region"() ({
      %run_scoped3A = tpu.sem_alloc : memref<!tpu.dma_semaphore, #tpu.memory_space<semaphore_mem>>
      %dma_start3A = arith.constant 0 : i32
      %dma_start3A_159 = tpu.memref_slice %arg7[%add3A_27, %dma_start3A] : memref<10240x16xf32, #tpu.memory_space<vmem_shared>> -> memref<128x16xf32, #tpu.memory_space<vmem_shared>>
      %dma_start3A_160 = arith.constant 0 : i32
      %dma_start3A_161 = tpu.memref_slice %arg7[%add3A_27, %dma_start3A_160] : memref<10240x16xf32, #tpu.memory_space<vmem_shared>> -> memref<128x16xf32, #tpu.memory_space<vmem_shared>>
      tpu.enqueue_dma source(%arg6 : memref<128x16xf32, #tpu.memory_space<vmem>>) target(%dma_start3A_161 : memref<128x16xf32, #tpu.memory_space<vmem_shared>>) target_semaphore(%run_scoped3A : memref<!tpu.dma_semaphore, #tpu.memory_space<semaphore_mem>>)
      %dma_wait3A_162 = arith.constant 0 : i32
      %dma_wait3A_163 = tpu.memref_slice %arg7[%add3A_27, %dma_wait3A_162] : memref<10240x16xf32, #tpu.memory_space<vmem_shared>> -> memref<128x16xf32, #tpu.memory_space<vmem_shared>>
      %dma_wait3A_164 = arith.constant 0 : i32
      %dma_wait3A_165 = tpu.memref_slice %arg7[%add3A_27, %dma_wait3A_164] : memref<10240x16xf32, #tpu.memory_space<vmem_shared>> -> memref<128x16xf32, #tpu.memory_space<vmem_shared>>
      tpu.wait_dma2 semaphore(%run_scoped3A : memref<!tpu.dma_semaphore, #tpu.memory_space<semaphore_mem>>) src(%arg6 : memref<128x16xf32, #tpu.memory_space<vmem>>) dst(%dma_wait3A_165 : memref<128x16xf32, #tpu.memory_space<vmem_shared>>)
      tpu.yield
    }) : () -> ()
    %mul3A_28 = arith.constant 640 : i32
    %mul3A_29 = arith.muli %arg1, %mul3A_28 : i32
    %add3A_30 = arith.constant 384 : i32
    %add3A_31 = arith.addi %mul3A_29, %add3A_30 : i32
    "tpu.region"() ({
      %run_scoped3A = tpu.sem_alloc : memref<!tpu.dma_semaphore, #tpu.memory_space<semaphore_mem>>
      %dma_start3A = arith.constant 0 : i32
      %dma_start3A_159 = tpu.memref_slice %arg7[%add3A_31, %dma_start3A] : memref<10240x16xf32, #tpu.memory_space<vmem_shared>> -> memref<128x16xf32, #tpu.memory_space<vmem_shared>>
      %dma_start3A_160 = arith.constant 0 : i32
      %dma_start3A_161 = tpu.memref_slice %arg7[%add3A_31, %dma_start3A_160] : memref<10240x16xf32, #tpu.memory_space<vmem_shared>> -> memref<128x16xf32, #tpu.memory_space<vmem_shared>>
      tpu.enqueue_dma source(%arg6 : memref<128x16xf32, #tpu.memory_space<vmem>>) target(%dma_start3A_161 : memref<128x16xf32, #tpu.memory_space<vmem_shared>>) target_semaphore(%run_scoped3A : memref<!tpu.dma_semaphore, #tpu.memory_space<semaphore_mem>>)
      %dma_wait3A_162 = arith.constant 0 : i32
      %dma_wait3A_163 = tpu.memref_slice %arg7[%add3A_31, %dma_wait3A_162] : memref<10240x16xf32, #tpu.memory_space<vmem_shared>> -> memref<128x16xf32, #tpu.memory_space<vmem_shared>>
      %dma_wait3A_164 = arith.constant 0 : i32
      %dma_wait3A_165 = tpu.memref_slice %arg7[%add3A_31, %dma_wait3A_164] : memref<10240x16xf32, #tpu.memory_space<vmem_shared>> -> memref<128x16xf32, #tpu.memory_space<vmem_shared>>
      tpu.wait_dma2 semaphore(%run_scoped3A : memref<!tpu.dma_semaphore, #tpu.memory_space<semaphore_mem>>) src(%arg6 : memref<128x16xf32, #tpu.memory_space<vmem>>) dst(%dma_wait3A_165 : memref<128x16xf32, #tpu.memory_space<vmem_shared>>)
      tpu.yield
    }) : () -> ()
    %mul3A_32 = arith.constant 640 : i32
    %mul3A_33 = arith.muli %arg1, %mul3A_32 : i32
    %add3A_34 = arith.constant 512 : i32
    %add3A_35 = arith.addi %mul3A_33, %add3A_34 : i32
    "tpu.region"() ({
      %run_scoped3A = tpu.sem_alloc : memref<!tpu.dma_semaphore, #tpu.memory_space<semaphore_mem>>
      %dma_start3A = arith.constant 0 : i32
      %dma_start3A_159 = tpu.memref_slice %arg7[%add3A_35, %dma_start3A] : memref<10240x16xf32, #tpu.memory_space<vmem_shared>> -> memref<128x16xf32, #tpu.memory_space<vmem_shared>>
      %dma_start3A_160 = arith.constant 0 : i32
      %dma_start3A_161 = tpu.memref_slice %arg7[%add3A_35, %dma_start3A_160] : memref<10240x16xf32, #tpu.memory_space<vmem_shared>> -> memref<128x16xf32, #tpu.memory_space<vmem_shared>>
      tpu.enqueue_dma source(%arg6 : memref<128x16xf32, #tpu.memory_space<vmem>>) target(%dma_start3A_161 : memref<128x16xf32, #tpu.memory_space<vmem_shared>>) target_semaphore(%run_scoped3A : memref<!tpu.dma_semaphore, #tpu.memory_space<semaphore_mem>>)
      %dma_wait3A_162 = arith.constant 0 : i32
      %dma_wait3A_163 = tpu.memref_slice %arg7[%add3A_35, %dma_wait3A_162] : memref<10240x16xf32, #tpu.memory_space<vmem_shared>> -> memref<128x16xf32, #tpu.memory_space<vmem_shared>>
      %dma_wait3A_164 = arith.constant 0 : i32
      %dma_wait3A_165 = tpu.memref_slice %arg7[%add3A_35, %dma_wait3A_164] : memref<10240x16xf32, #tpu.memory_space<vmem_shared>> -> memref<128x16xf32, #tpu.memory_space<vmem_shared>>
      tpu.wait_dma2 semaphore(%run_scoped3A : memref<!tpu.dma_semaphore, #tpu.memory_space<semaphore_mem>>) src(%arg6 : memref<128x16xf32, #tpu.memory_space<vmem>>) dst(%dma_wait3A_165 : memref<128x16xf32, #tpu.memory_space<vmem_shared>>)
      tpu.yield
    }) : () -> ()
    %barrier3A = arith.constant 0 : index
    tpu.barrier barrier_id(%barrier3A)
    %scan3A_36 = arith.constant 0 : i32
    %scan3A_37 = arith.constant 0 : i32
    %scan3A_38 = arith.constant 80 : i32
    %scan3A_39 = arith.addi %scan3A_37, %scan3A_38 : i32
    %scan3A_40 = arith.constant 1 : i32
    %scan3A_41 = scf.for %scan3A_159 = %scan3A_37 to %scan3A_39 step %scan3A_40 iter_args(%scan3A_160 = %scan3A_36) -> (i32)  : i32 {
      %dma_start3A = arith.constant 0 : i32
      %dma_start3A_161 = tpu.memref_slice %arg4[%scan3A_159, %dma_start3A] : memref<80x128xi32, #tpu.memory_space<vmem>> -> memref<1x128xi32, #tpu.memory_space<vmem>>
      %dma_start3A_162 = tpu.memref_squeeze %dma_start3A_161 : memref<1x128xi32, #tpu.memory_space<vmem>> -> memref<128xi32, #tpu.memory_space<vmem>>
      %dma_start3A_163 = arith.constant 0 : i32
      %dma_start3A_164 = arith.constant 0 : i32
      %dma_start3A_165 = tpu.memref_slice %arg7[%dma_start3A_163, %dma_start3A_164] : memref<10240x16xf32, #tpu.memory_space<vmem_shared>> -> memref<10240x16xf32, #tpu.memory_space<vmem_shared>>
      tpu.enqueue_indirect_dma source(%arg5 : memref<128x16xf32, #tpu.memory_space<vmem>>) target(%dma_start3A_165 : memref<10240x16xf32, #tpu.memory_space<vmem_shared>>) offsets(%dma_start3A_162 : memref<128xi32, #tpu.memory_space<vmem>>) semaphore(%arg8 : memref<!tpu.dma_semaphore, #tpu.memory_space<semaphore_mem>>) {add = true}
      %ge3A = arith.constant 16 : i32
      %ge3A_166 = arith.cmpi sge, %scan3A_159, %ge3A : i32
      %convert_element_type3A = arith.extui %ge3A_166 : i1 to i32
      %cond3A = arith.constant 0 : i32
      %cond3A_167 = arith.cmpi ne, %convert_element_type3A, %cond3A : i32
      scf.if %cond3A_167 {
        %dma_wait3A_169 = arith.constant 0 : i32
        %dma_wait3A_170 = arith.constant 0 : i32
        %dma_wait3A_171 = tpu.memref_slice %arg4[%dma_wait3A_169, %dma_wait3A_170] : memref<80x128xi32, #tpu.memory_space<vmem>> -> memref<1x128xi32, #tpu.memory_space<vmem>>
        %dma_wait3A_172 = tpu.memref_squeeze %dma_wait3A_171 : memref<1x128xi32, #tpu.memory_space<vmem>> -> memref<128xi32, #tpu.memory_space<vmem>>
        %dma_wait3A_173 = arith.constant 0 : i32
        %dma_wait3A_174 = arith.constant 0 : i32
        %dma_wait3A_175 = tpu.memref_slice %arg7[%dma_wait3A_173, %dma_wait3A_174] : memref<10240x16xf32, #tpu.memory_space<vmem_shared>> -> memref<10240x16xf32, #tpu.memory_space<vmem_shared>>
        tpu.wait_indirect_dma semaphore(%arg8 : memref<!tpu.dma_semaphore, #tpu.memory_space<semaphore_mem>>) src(%arg5 : memref<128x16xf32, #tpu.memory_space<vmem>>) dst(%dma_wait3A_175 : memref<10240x16xf32, #tpu.memory_space<vmem_shared>>)
      } else {
      }
      %scan3A_168 = arith.constant 0 : i32
      scf.yield %scan3A_168 : i32
    }
    %scan3A_42 = arith.constant 80 : i32
    %dma_wait3A = arith.constant 0 : i32
    %dma_wait3A_43 = arith.constant 0 : i32
    %dma_wait3A_44 = tpu.memref_slice %arg4[%dma_wait3A, %dma_wait3A_43] : memref<80x128xi32, #tpu.memory_space<vmem>> -> memref<1x128xi32, #tpu.memory_space<vmem>>
    %dma_wait3A_45 = tpu.memref_squeeze %dma_wait3A_44 : memref<1x128xi32, #tpu.memory_space<vmem>> -> memref<128xi32, #tpu.memory_space<vmem>>
    %dma_wait3A_46 = arith.constant 0 : i32
    %dma_wait3A_47 = arith.constant 0 : i32
    %dma_wait3A_48 = tpu.memref_slice %arg7[%dma_wait3A_46, %dma_wait3A_47] : memref<10240x16xf32, #tpu.memory_space<vmem_shared>> -> memref<10240x16xf32, #tpu.memory_space<vmem_shared>>
    tpu.wait_indirect_dma semaphore(%arg8 : memref<!tpu.dma_semaphore, #tpu.memory_space<semaphore_mem>>) src(%arg5 : memref<128x16xf32, #tpu.memory_space<vmem>>) dst(%dma_wait3A_48 : memref<10240x16xf32, #tpu.memory_space<vmem_shared>>)
    %dma_wait3A_49 = arith.constant 0 : i32
    %dma_wait3A_50 = arith.constant 0 : i32
    %dma_wait3A_51 = tpu.memref_slice %arg4[%dma_wait3A_49, %dma_wait3A_50] : memref<80x128xi32, #tpu.memory_space<vmem>> -> memref<1x128xi32, #tpu.memory_space<vmem>>
    %dma_wait3A_52 = tpu.memref_squeeze %dma_wait3A_51 : memref<1x128xi32, #tpu.memory_space<vmem>> -> memref<128xi32, #tpu.memory_space<vmem>>
    %dma_wait3A_53 = arith.constant 0 : i32
    %dma_wait3A_54 = arith.constant 0 : i32
    %dma_wait3A_55 = tpu.memref_slice %arg7[%dma_wait3A_53, %dma_wait3A_54] : memref<10240x16xf32, #tpu.memory_space<vmem_shared>> -> memref<10240x16xf32, #tpu.memory_space<vmem_shared>>
    tpu.wait_indirect_dma semaphore(%arg8 : memref<!tpu.dma_semaphore, #tpu.memory_space<semaphore_mem>>) src(%arg5 : memref<128x16xf32, #tpu.memory_space<vmem>>) dst(%dma_wait3A_55 : memref<10240x16xf32, #tpu.memory_space<vmem_shared>>)
    %dma_wait3A_56 = arith.constant 0 : i32
    %dma_wait3A_57 = arith.constant 0 : i32
    %dma_wait3A_58 = tpu.memref_slice %arg4[%dma_wait3A_56, %dma_wait3A_57] : memref<80x128xi32, #tpu.memory_space<vmem>> -> memref<1x128xi32, #tpu.memory_space<vmem>>
    %dma_wait3A_59 = tpu.memref_squeeze %dma_wait3A_58 : memref<1x128xi32, #tpu.memory_space<vmem>> -> memref<128xi32, #tpu.memory_space<vmem>>
    %dma_wait3A_60 = arith.constant 0 : i32
    %dma_wait3A_61 = arith.constant 0 : i32
    %dma_wait3A_62 = tpu.memref_slice %arg7[%dma_wait3A_60, %dma_wait3A_61] : memref<10240x16xf32, #tpu.memory_space<vmem_shared>> -> memref<10240x16xf32, #tpu.memory_space<vmem_shared>>
    tpu.wait_indirect_dma semaphore(%arg8 : memref<!tpu.dma_semaphore, #tpu.memory_space<semaphore_mem>>) src(%arg5 : memref<128x16xf32, #tpu.memory_space<vmem>>) dst(%dma_wait3A_62 : memref<10240x16xf32, #tpu.memory_space<vmem_shared>>)
    %dma_wait3A_63 = arith.constant 0 : i32
    %dma_wait3A_64 = arith.constant 0 : i32
    %dma_wait3A_65 = tpu.memref_slice %arg4[%dma_wait3A_63, %dma_wait3A_64] : memref<80x128xi32, #tpu.memory_space<vmem>> -> memref<1x128xi32, #tpu.memory_space<vmem>>
    %dma_wait3A_66 = tpu.memref_squeeze %dma_wait3A_65 : memref<1x128xi32, #tpu.memory_space<vmem>> -> memref<128xi32, #tpu.memory_space<vmem>>
    %dma_wait3A_67 = arith.constant 0 : i32
    %dma_wait3A_68 = arith.constant 0 : i32
    %dma_wait3A_69 = tpu.memref_slice %arg7[%dma_wait3A_67, %dma_wait3A_68] : memref<10240x16xf32, #tpu.memory_space<vmem_shared>> -> memref<10240x16xf32, #tpu.memory_space<vmem_shared>>
    tpu.wait_indirect_dma semaphore(%arg8 : memref<!tpu.dma_semaphore, #tpu.memory_space<semaphore_mem>>) src(%arg5 : memref<128x16xf32, #tpu.memory_space<vmem>>) dst(%dma_wait3A_69 : memref<10240x16xf32, #tpu.memory_space<vmem_shared>>)
    %dma_wait3A_70 = arith.constant 0 : i32
    %dma_wait3A_71 = arith.constant 0 : i32
    %dma_wait3A_72 = tpu.memref_slice %arg4[%dma_wait3A_70, %dma_wait3A_71] : memref<80x128xi32, #tpu.memory_space<vmem>> -> memref<1x128xi32, #tpu.memory_space<vmem>>
    %dma_wait3A_73 = tpu.memref_squeeze %dma_wait3A_72 : memref<1x128xi32, #tpu.memory_space<vmem>> -> memref<128xi32, #tpu.memory_space<vmem>>
    %dma_wait3A_74 = arith.constant 0 : i32
    %dma_wait3A_75 = arith.constant 0 : i32
    %dma_wait3A_76 = tpu.memref_slice %arg7[%dma_wait3A_74, %dma_wait3A_75] : memref<10240x16xf32, #tpu.memory_space<vmem_shared>> -> memref<10240x16xf32, #tpu.memory_space<vmem_shared>>
    tpu.wait_indirect_dma semaphore(%arg8 : memref<!tpu.dma_semaphore, #tpu.memory_space<semaphore_mem>>) src(%arg5 : memref<128x16xf32, #tpu.memory_space<vmem>>) dst(%dma_wait3A_76 : memref<10240x16xf32, #tpu.memory_space<vmem_shared>>)
    %dma_wait3A_77 = arith.constant 0 : i32
    %dma_wait3A_78 = arith.constant 0 : i32
    %dma_wait3A_79 = tpu.memref_slice %arg4[%dma_wait3A_77, %dma_wait3A_78] : memref<80x128xi32, #tpu.memory_space<vmem>> -> memref<1x128xi32, #tpu.memory_space<vmem>>
    %dma_wait3A_80 = tpu.memref_squeeze %dma_wait3A_79 : memref<1x128xi32, #tpu.memory_space<vmem>> -> memref<128xi32, #tpu.memory_space<vmem>>
    %dma_wait3A_81 = arith.constant 0 : i32
    %dma_wait3A_82 = arith.constant 0 : i32
    %dma_wait3A_83 = tpu.memref_slice %arg7[%dma_wait3A_81, %dma_wait3A_82] : memref<10240x16xf32, #tpu.memory_space<vmem_shared>> -> memref<10240x16xf32, #tpu.memory_space<vmem_shared>>
    tpu.wait_indirect_dma semaphore(%arg8 : memref<!tpu.dma_semaphore, #tpu.memory_space<semaphore_mem>>) src(%arg5 : memref<128x16xf32, #tpu.memory_space<vmem>>) dst(%dma_wait3A_83 : memref<10240x16xf32, #tpu.memory_space<vmem_shared>>)
    %dma_wait3A_84 = arith.constant 0 : i32
    %dma_wait3A_85 = arith.constant 0 : i32
    %dma_wait3A_86 = tpu.memref_slice %arg4[%dma_wait3A_84, %dma_wait3A_85] : memref<80x128xi32, #tpu.memory_space<vmem>> -> memref<1x128xi32, #tpu.memory_space<vmem>>
    %dma_wait3A_87 = tpu.memref_squeeze %dma_wait3A_86 : memref<1x128xi32, #tpu.memory_space<vmem>> -> memref<128xi32, #tpu.memory_space<vmem>>
    %dma_wait3A_88 = arith.constant 0 : i32
    %dma_wait3A_89 = arith.constant 0 : i32
    %dma_wait3A_90 = tpu.memref_slice %arg7[%dma_wait3A_88, %dma_wait3A_89] : memref<10240x16xf32, #tpu.memory_space<vmem_shared>> -> memref<10240x16xf32, #tpu.memory_space<vmem_shared>>
    tpu.wait_indirect_dma semaphore(%arg8 : memref<!tpu.dma_semaphore, #tpu.memory_space<semaphore_mem>>) src(%arg5 : memref<128x16xf32, #tpu.memory_space<vmem>>) dst(%dma_wait3A_90 : memref<10240x16xf32, #tpu.memory_space<vmem_shared>>)
    %dma_wait3A_91 = arith.constant 0 : i32
    %dma_wait3A_92 = arith.constant 0 : i32
    %dma_wait3A_93 = tpu.memref_slice %arg4[%dma_wait3A_91, %dma_wait3A_92] : memref<80x128xi32, #tpu.memory_space<vmem>> -> memref<1x128xi32, #tpu.memory_space<vmem>>
    %dma_wait3A_94 = tpu.memref_squeeze %dma_wait3A_93 : memref<1x128xi32, #tpu.memory_space<vmem>> -> memref<128xi32, #tpu.memory_space<vmem>>
    %dma_wait3A_95 = arith.constant 0 : i32
    %dma_wait3A_96 = arith.constant 0 : i32
    %dma_wait3A_97 = tpu.memref_slice %arg7[%dma_wait3A_95, %dma_wait3A_96] : memref<10240x16xf32, #tpu.memory_space<vmem_shared>> -> memref<10240x16xf32, #tpu.memory_space<vmem_shared>>
    tpu.wait_indirect_dma semaphore(%arg8 : memref<!tpu.dma_semaphore, #tpu.memory_space<semaphore_mem>>) src(%arg5 : memref<128x16xf32, #tpu.memory_space<vmem>>) dst(%dma_wait3A_97 : memref<10240x16xf32, #tpu.memory_space<vmem_shared>>)
    %dma_wait3A_98 = arith.constant 0 : i32
    %dma_wait3A_99 = arith.constant 0 : i32
    %dma_wait3A_100 = tpu.memref_slice %arg4[%dma_wait3A_98, %dma_wait3A_99] : memref<80x128xi32, #tpu.memory_space<vmem>> -> memref<1x128xi32, #tpu.memory_space<vmem>>
    %dma_wait3A_101 = tpu.memref_squeeze %dma_wait3A_100 : memref<1x128xi32, #tpu.memory_space<vmem>> -> memref<128xi32, #tpu.memory_space<vmem>>
    %dma_wait3A_102 = arith.constant 0 : i32
    %dma_wait3A_103 = arith.constant 0 : i32
    %dma_wait3A_104 = tpu.memref_slice %arg7[%dma_wait3A_102, %dma_wait3A_103] : memref<10240x16xf32, #tpu.memory_space<vmem_shared>> -> memref<10240x16xf32, #tpu.memory_space<vmem_shared>>
    tpu.wait_indirect_dma semaphore(%arg8 : memref<!tpu.dma_semaphore, #tpu.memory_space<semaphore_mem>>) src(%arg5 : memref<128x16xf32, #tpu.memory_space<vmem>>) dst(%dma_wait3A_104 : memref<10240x16xf32, #tpu.memory_space<vmem_shared>>)
    %dma_wait3A_105 = arith.constant 0 : i32
    %dma_wait3A_106 = arith.constant 0 : i32
    %dma_wait3A_107 = tpu.memref_slice %arg4[%dma_wait3A_105, %dma_wait3A_106] : memref<80x128xi32, #tpu.memory_space<vmem>> -> memref<1x128xi32, #tpu.memory_space<vmem>>
    %dma_wait3A_108 = tpu.memref_squeeze %dma_wait3A_107 : memref<1x128xi32, #tpu.memory_space<vmem>> -> memref<128xi32, #tpu.memory_space<vmem>>
    %dma_wait3A_109 = arith.constant 0 : i32
    %dma_wait3A_110 = arith.constant 0 : i32
    %dma_wait3A_111 = tpu.memref_slice %arg7[%dma_wait3A_109, %dma_wait3A_110] : memref<10240x16xf32, #tpu.memory_space<vmem_shared>> -> memref<10240x16xf32, #tpu.memory_space<vmem_shared>>
    tpu.wait_indirect_dma semaphore(%arg8 : memref<!tpu.dma_semaphore, #tpu.memory_space<semaphore_mem>>) src(%arg5 : memref<128x16xf32, #tpu.memory_space<vmem>>) dst(%dma_wait3A_111 : memref<10240x16xf32, #tpu.memory_space<vmem_shared>>)
    %dma_wait3A_112 = arith.constant 0 : i32
    %dma_wait3A_113 = arith.constant 0 : i32
    %dma_wait3A_114 = tpu.memref_slice %arg4[%dma_wait3A_112, %dma_wait3A_113] : memref<80x128xi32, #tpu.memory_space<vmem>> -> memref<1x128xi32, #tpu.memory_space<vmem>>
    %dma_wait3A_115 = tpu.memref_squeeze %dma_wait3A_114 : memref<1x128xi32, #tpu.memory_space<vmem>> -> memref<128xi32, #tpu.memory_space<vmem>>
    %dma_wait3A_116 = arith.constant 0 : i32
    %dma_wait3A_117 = arith.constant 0 : i32
    %dma_wait3A_118 = tpu.memref_slice %arg7[%dma_wait3A_116, %dma_wait3A_117] : memref<10240x16xf32, #tpu.memory_space<vmem_shared>> -> memref<10240x16xf32, #tpu.memory_space<vmem_shared>>
    tpu.wait_indirect_dma semaphore(%arg8 : memref<!tpu.dma_semaphore, #tpu.memory_space<semaphore_mem>>) src(%arg5 : memref<128x16xf32, #tpu.memory_space<vmem>>) dst(%dma_wait3A_118 : memref<10240x16xf32, #tpu.memory_space<vmem_shared>>)
    %dma_wait3A_119 = arith.constant 0 : i32
    %dma_wait3A_120 = arith.constant 0 : i32
    %dma_wait3A_121 = tpu.memref_slice %arg4[%dma_wait3A_119, %dma_wait3A_120] : memref<80x128xi32, #tpu.memory_space<vmem>> -> memref<1x128xi32, #tpu.memory_space<vmem>>
    %dma_wait3A_122 = tpu.memref_squeeze %dma_wait3A_121 : memref<1x128xi32, #tpu.memory_space<vmem>> -> memref<128xi32, #tpu.memory_space<vmem>>
    %dma_wait3A_123 = arith.constant 0 : i32
    %dma_wait3A_124 = arith.constant 0 : i32
    %dma_wait3A_125 = tpu.memref_slice %arg7[%dma_wait3A_123, %dma_wait3A_124] : memref<10240x16xf32, #tpu.memory_space<vmem_shared>> -> memref<10240x16xf32, #tpu.memory_space<vmem_shared>>
    tpu.wait_indirect_dma semaphore(%arg8 : memref<!tpu.dma_semaphore, #tpu.memory_space<semaphore_mem>>) src(%arg5 : memref<128x16xf32, #tpu.memory_space<vmem>>) dst(%dma_wait3A_125 : memref<10240x16xf32, #tpu.memory_space<vmem_shared>>)
    %dma_wait3A_126 = arith.constant 0 : i32
    %dma_wait3A_127 = arith.constant 0 : i32
    %dma_wait3A_128 = tpu.memref_slice %arg4[%dma_wait3A_126, %dma_wait3A_127] : memref<80x128xi32, #tpu.memory_space<vmem>> -> memref<1x128xi32, #tpu.memory_space<vmem>>
    %dma_wait3A_129 = tpu.memref_squeeze %dma_wait3A_128 : memref<1x128xi32, #tpu.memory_space<vmem>> -> memref<128xi32, #tpu.memory_space<vmem>>
    %dma_wait3A_130 = arith.constant 0 : i32
    %dma_wait3A_131 = arith.constant 0 : i32
    %dma_wait3A_132 = tpu.memref_slice %arg7[%dma_wait3A_130, %dma_wait3A_131] : memref<10240x16xf32, #tpu.memory_space<vmem_shared>> -> memref<10240x16xf32, #tpu.memory_space<vmem_shared>>
    tpu.wait_indirect_dma semaphore(%arg8 : memref<!tpu.dma_semaphore, #tpu.memory_space<semaphore_mem>>) src(%arg5 : memref<128x16xf32, #tpu.memory_space<vmem>>) dst(%dma_wait3A_132 : memref<10240x16xf32, #tpu.memory_space<vmem_shared>>)
    %dma_wait3A_133 = arith.constant 0 : i32
    %dma_wait3A_134 = arith.constant 0 : i32
    %dma_wait3A_135 = tpu.memref_slice %arg4[%dma_wait3A_133, %dma_wait3A_134] : memref<80x128xi32, #tpu.memory_space<vmem>> -> memref<1x128xi32, #tpu.memory_space<vmem>>
    %dma_wait3A_136 = tpu.memref_squeeze %dma_wait3A_135 : memref<1x128xi32, #tpu.memory_space<vmem>> -> memref<128xi32, #tpu.memory_space<vmem>>
    %dma_wait3A_137 = arith.constant 0 : i32
    %dma_wait3A_138 = arith.constant 0 : i32
    %dma_wait3A_139 = tpu.memref_slice %arg7[%dma_wait3A_137, %dma_wait3A_138] : memref<10240x16xf32, #tpu.memory_space<vmem_shared>> -> memref<10240x16xf32, #tpu.memory_space<vmem_shared>>
    tpu.wait_indirect_dma semaphore(%arg8 : memref<!tpu.dma_semaphore, #tpu.memory_space<semaphore_mem>>) src(%arg5 : memref<128x16xf32, #tpu.memory_space<vmem>>) dst(%dma_wait3A_139 : memref<10240x16xf32, #tpu.memory_space<vmem_shared>>)
    %dma_wait3A_140 = arith.constant 0 : i32
    %dma_wait3A_141 = arith.constant 0 : i32
    %dma_wait3A_142 = tpu.memref_slice %arg4[%dma_wait3A_140, %dma_wait3A_141] : memref<80x128xi32, #tpu.memory_space<vmem>> -> memref<1x128xi32, #tpu.memory_space<vmem>>
    %dma_wait3A_143 = tpu.memref_squeeze %dma_wait3A_142 : memref<1x128xi32, #tpu.memory_space<vmem>> -> memref<128xi32, #tpu.memory_space<vmem>>
    %dma_wait3A_144 = arith.constant 0 : i32
    %dma_wait3A_145 = arith.constant 0 : i32
    %dma_wait3A_146 = tpu.memref_slice %arg7[%dma_wait3A_144, %dma_wait3A_145] : memref<10240x16xf32, #tpu.memory_space<vmem_shared>> -> memref<10240x16xf32, #tpu.memory_space<vmem_shared>>
    tpu.wait_indirect_dma semaphore(%arg8 : memref<!tpu.dma_semaphore, #tpu.memory_space<semaphore_mem>>) src(%arg5 : memref<128x16xf32, #tpu.memory_space<vmem>>) dst(%dma_wait3A_146 : memref<10240x16xf32, #tpu.memory_space<vmem_shared>>)
    %dma_wait3A_147 = arith.constant 0 : i32
    %dma_wait3A_148 = arith.constant 0 : i32
    %dma_wait3A_149 = tpu.memref_slice %arg4[%dma_wait3A_147, %dma_wait3A_148] : memref<80x128xi32, #tpu.memory_space<vmem>> -> memref<1x128xi32, #tpu.memory_space<vmem>>
    %dma_wait3A_150 = tpu.memref_squeeze %dma_wait3A_149 : memref<1x128xi32, #tpu.memory_space<vmem>> -> memref<128xi32, #tpu.memory_space<vmem>>
    %dma_wait3A_151 = arith.constant 0 : i32
    %dma_wait3A_152 = arith.constant 0 : i32
    %dma_wait3A_153 = tpu.memref_slice %arg7[%dma_wait3A_151, %dma_wait3A_152] : memref<10240x16xf32, #tpu.memory_space<vmem_shared>> -> memref<10240x16xf32, #tpu.memory_space<vmem_shared>>
    tpu.wait_indirect_dma semaphore(%arg8 : memref<!tpu.dma_semaphore, #tpu.memory_space<semaphore_mem>>) src(%arg5 : memref<128x16xf32, #tpu.memory_space<vmem>>) dst(%dma_wait3A_153 : memref<10240x16xf32, #tpu.memory_space<vmem_shared>>)
    %barrier3A_154 = arith.constant 0 : index
    tpu.barrier barrier_id(%barrier3A_154)
    %mul3A_155 = arith.constant 640 : i32
    %mul3A_156 = arith.muli %arg1, %mul3A_155 : i32
    %mul3A_157 = arith.constant 640 : i32
    %mul3A_158 = arith.muli %arg1, %mul3A_157 : i32
    "tpu.region"() ({
      %run_scoped3A = tpu.sem_alloc : memref<!tpu.dma_semaphore, #tpu.memory_space<semaphore_mem>>
      %dma_start3A = arith.constant 0 : i32
      %dma_start3A_159 = tpu.memref_slice %arg3[%arg0, %mul3A_158, %dma_start3A] : memref<2x10240x16xf32, #tpu.memory_space<hbm>> -> memref<1x640x16xf32, #tpu.memory_space<hbm>>
      %dma_start3A_160 = tpu.memref_squeeze %dma_start3A_159 : memref<1x640x16xf32, #tpu.memory_space<hbm>> -> memref<640x16xf32, #tpu.memory_space<hbm>>
      %dma_start3A_161 = arith.constant 0 : i32
      %dma_start3A_162 = tpu.memref_slice %arg7[%mul3A_156, %dma_start3A_161] : memref<10240x16xf32, #tpu.memory_space<vmem_shared>> -> memref<640x16xf32, #tpu.memory_space<vmem_shared>>
      tpu.enqueue_dma source(%dma_start3A_162 : memref<640x16xf32, #tpu.memory_space<vmem_shared>>) target(%dma_start3A_160 : memref<640x16xf32, #tpu.memory_space<hbm>>) target_semaphore(%run_scoped3A : memref<!tpu.dma_semaphore, #tpu.memory_space<semaphore_mem>>)
      %dma_wait3A_163 = arith.constant 0 : i32
      %dma_wait3A_164 = tpu.memref_slice %arg3[%arg0, %mul3A_158, %dma_wait3A_163] : memref<2x10240x16xf32, #tpu.memory_space<hbm>> -> memref<1x640x16xf32, #tpu.memory_space<hbm>>
      %dma_wait3A_165 = tpu.memref_squeeze %dma_wait3A_164 : memref<1x640x16xf32, #tpu.memory_space<hbm>> -> memref<640x16xf32, #tpu.memory_space<hbm>>
      %dma_wait3A_166 = arith.constant 0 : i32
      %dma_wait3A_167 = tpu.memref_slice %arg7[%mul3A_156, %dma_wait3A_166] : memref<10240x16xf32, #tpu.memory_space<vmem_shared>> -> memref<640x16xf32, #tpu.memory_space<vmem_shared>>
      tpu.wait_dma2 semaphore(%run_scoped3A : memref<!tpu.dma_semaphore, #tpu.memory_space<semaphore_mem>>) src(%dma_wait3A_167 : memref<640x16xf32, #tpu.memory_space<vmem_shared>>) dst(%dma_wait3A_165 : memref<640x16xf32, #tpu.memory_space<hbm>>)
      tpu.yield
    }) : () -> ()
    return
  }
}

#map = affine_map<(d0, d1) -> (0, 0)>
#map1 = affine_map<(d0, d1) -> (0, 0, 0)>
module attributes {stable_mosaic.version = 14 : i64} {
  func.func @k(%arg0: i32, %arg1: i32, %arg2: memref<10240x16xf32, #tpu.memory_space<hbm>>, %arg3: memref<2560x128xi32, #tpu.memory_space<hbm>>, %arg4: memref<2560x128xi32, #tpu.memory_space<hbm>>, %arg5: memref<2x10240x16xf32, #tpu.memory_space<hbm>>, %arg6: memref<80x128xi32, #tpu.memory_space<vmem>>, %arg7: memref<80x128xi32, #tpu.memory_space<vmem>>, %arg8: memref<128x16xf32, #tpu.memory_space<vmem>>, %arg9: memref<128x16xf32, #tpu.memory_space<vmem>>, %arg10: memref<10000x16xf32, #tpu.memory_space<vmem_shared>>, %arg11: memref<10240x16xf32, #tpu.memory_space<vmem_shared>>, %arg12: memref<!tpu.dma_semaphore, #tpu.memory_space<semaphore_mem>>, %arg13: memref<!tpu.dma_semaphore, #tpu.memory_space<semaphore_mem>>, %arg14: memref<!tpu.dma_semaphore, #tpu.memory_space<semaphore_mem>>, %arg15: memref<!tpu.dma_semaphore, #tpu.memory_space<semaphore_mem>>) attributes {dimension_semantics = [#tpu.dimension_semantics<core_parallel>, #tpu.dimension_semantics<subcore_parallel>], iteration_bounds = array<i64: 2, 16>, scalar_prefetch = 0 : i64, scratch_operands = 10 : i64, tpu.core_type = #tpu.core_type<sc_vector_subcore>, window_params = [{transform_indices = #map}, {transform_indices = #map}, {transform_indices = #map}, {transform_indices = #map1}]} {
    %mul3A = arith.constant 2 : i32
    %mul3A_0 = arith.muli %arg1, %mul3A : i32
    %add3A = arith.addi %mul3A_0, %arg0 : i32
    %mul3A_1 = arith.constant 625 : i32
    %mul3A_2 = arith.muli %arg1, %mul3A_1 : i32
    %mul3A_3 = arith.constant 625 : i32
    %mul3A_4 = arith.muli %arg1, %mul3A_3 : i32
    "tpu.region"() ({
      %run_scoped3A = tpu.sem_alloc : memref<!tpu.dma_semaphore, #tpu.memory_space<semaphore_mem>>
      %dma_start3A_52 = arith.constant 0 : i32
      %dma_start3A_53 = tpu.memref_slice %arg10[%mul3A_4, %dma_start3A_52] : memref<10000x16xf32, #tpu.memory_space<vmem_shared>> -> memref<625x16xf32, #tpu.memory_space<vmem_shared>>
      %dma_start3A_54 = arith.constant 0 : i32
      %dma_start3A_55 = tpu.memref_slice %arg2[%mul3A_2, %dma_start3A_54] : memref<10240x16xf32, #tpu.memory_space<hbm>> -> memref<625x16xf32, #tpu.memory_space<hbm>>
      tpu.enqueue_dma source(%dma_start3A_55 : memref<625x16xf32, #tpu.memory_space<hbm>>) target(%dma_start3A_53 : memref<625x16xf32, #tpu.memory_space<vmem_shared>>) target_semaphore(%run_scoped3A : memref<!tpu.dma_semaphore, #tpu.memory_space<semaphore_mem>>)
      %dma_wait3A_56 = arith.constant 0 : i32
      %dma_wait3A_57 = tpu.memref_slice %arg10[%mul3A_4, %dma_wait3A_56] : memref<10000x16xf32, #tpu.memory_space<vmem_shared>> -> memref<625x16xf32, #tpu.memory_space<vmem_shared>>
      %dma_wait3A_58 = arith.constant 0 : i32
      %dma_wait3A_59 = tpu.memref_slice %arg2[%mul3A_2, %dma_wait3A_58] : memref<10240x16xf32, #tpu.memory_space<hbm>> -> memref<625x16xf32, #tpu.memory_space<hbm>>
      tpu.wait_dma2 semaphore(%run_scoped3A : memref<!tpu.dma_semaphore, #tpu.memory_space<semaphore_mem>>) src(%dma_wait3A_59 : memref<625x16xf32, #tpu.memory_space<hbm>>) dst(%dma_wait3A_57 : memref<625x16xf32, #tpu.memory_space<vmem_shared>>)
      tpu.yield
    }) : () -> ()
    %mul3A_5 = arith.constant 80 : i32
    %mul3A_6 = arith.muli %add3A, %mul3A_5 : i32
    "tpu.region"() ({
      %run_scoped3A = tpu.sem_alloc : memref<!tpu.dma_semaphore, #tpu.memory_space<semaphore_mem>>
      %dma_start3A_52 = arith.constant 0 : i32
      %dma_start3A_53 = tpu.memref_slice %arg3[%mul3A_6, %dma_start3A_52] : memref<2560x128xi32, #tpu.memory_space<hbm>> -> memref<80x128xi32, #tpu.memory_space<hbm>>
      %dma_start3A_54 = arith.constant 0 : i32
      %dma_start3A_55 = tpu.memref_slice %arg3[%mul3A_6, %dma_start3A_54] : memref<2560x128xi32, #tpu.memory_space<hbm>> -> memref<80x128xi32, #tpu.memory_space<hbm>>
      tpu.enqueue_dma source(%dma_start3A_55 : memref<80x128xi32, #tpu.memory_space<hbm>>) target(%arg6 : memref<80x128xi32, #tpu.memory_space<vmem>>) target_semaphore(%run_scoped3A : memref<!tpu.dma_semaphore, #tpu.memory_space<semaphore_mem>>)
      %dma_wait3A_56 = arith.constant 0 : i32
      %dma_wait3A_57 = tpu.memref_slice %arg3[%mul3A_6, %dma_wait3A_56] : memref<2560x128xi32, #tpu.memory_space<hbm>> -> memref<80x128xi32, #tpu.memory_space<hbm>>
      %dma_wait3A_58 = arith.constant 0 : i32
      %dma_wait3A_59 = tpu.memref_slice %arg3[%mul3A_6, %dma_wait3A_58] : memref<2560x128xi32, #tpu.memory_space<hbm>> -> memref<80x128xi32, #tpu.memory_space<hbm>>
      tpu.wait_dma2 semaphore(%run_scoped3A : memref<!tpu.dma_semaphore, #tpu.memory_space<semaphore_mem>>) src(%dma_wait3A_59 : memref<80x128xi32, #tpu.memory_space<hbm>>) dst(%arg6 : memref<80x128xi32, #tpu.memory_space<vmem>>)
      tpu.yield
    }) : () -> ()
    %mul3A_7 = arith.constant 80 : i32
    %mul3A_8 = arith.muli %add3A, %mul3A_7 : i32
    "tpu.region"() ({
      %run_scoped3A = tpu.sem_alloc : memref<!tpu.dma_semaphore, #tpu.memory_space<semaphore_mem>>
      %dma_start3A_52 = arith.constant 0 : i32
      %dma_start3A_53 = tpu.memref_slice %arg4[%mul3A_8, %dma_start3A_52] : memref<2560x128xi32, #tpu.memory_space<hbm>> -> memref<80x128xi32, #tpu.memory_space<hbm>>
      %dma_start3A_54 = arith.constant 0 : i32
      %dma_start3A_55 = tpu.memref_slice %arg4[%mul3A_8, %dma_start3A_54] : memref<2560x128xi32, #tpu.memory_space<hbm>> -> memref<80x128xi32, #tpu.memory_space<hbm>>
      tpu.enqueue_dma source(%dma_start3A_55 : memref<80x128xi32, #tpu.memory_space<hbm>>) target(%arg7 : memref<80x128xi32, #tpu.memory_space<vmem>>) target_semaphore(%run_scoped3A : memref<!tpu.dma_semaphore, #tpu.memory_space<semaphore_mem>>)
      %dma_wait3A_56 = arith.constant 0 : i32
      %dma_wait3A_57 = tpu.memref_slice %arg4[%mul3A_8, %dma_wait3A_56] : memref<2560x128xi32, #tpu.memory_space<hbm>> -> memref<80x128xi32, #tpu.memory_space<hbm>>
      %dma_wait3A_58 = arith.constant 0 : i32
      %dma_wait3A_59 = tpu.memref_slice %arg4[%mul3A_8, %dma_wait3A_58] : memref<2560x128xi32, #tpu.memory_space<hbm>> -> memref<80x128xi32, #tpu.memory_space<hbm>>
      tpu.wait_dma2 semaphore(%run_scoped3A : memref<!tpu.dma_semaphore, #tpu.memory_space<semaphore_mem>>) src(%dma_wait3A_59 : memref<80x128xi32, #tpu.memory_space<hbm>>) dst(%arg7 : memref<80x128xi32, #tpu.memory_space<vmem>>)
      tpu.yield
    }) : () -> ()
    %eq3A = arith.constant 0 : i32
    %eq3A_9 = arith.cmpi eq, %arg0, %eq3A : i32
    %convert_element_type3A = arith.extui %eq3A_9 : i1 to i32
    %cond3A = arith.constant 0 : i32
    %cond3A_10 = arith.cmpi ne, %convert_element_type3A, %cond3A : i32
    scf.if %cond3A_10 {
      %mul3A_52 = arith.constant 640 : i32
      %mul3A_53 = arith.muli %arg1, %mul3A_52 : i32
      %mul3A_54 = arith.constant 640 : i32
      %mul3A_55 = arith.muli %arg1, %mul3A_54 : i32
      "tpu.region"() ({
        %run_scoped3A = tpu.sem_alloc : memref<!tpu.dma_semaphore, #tpu.memory_space<semaphore_mem>>
        %dma_start3A_56 = arith.constant 0 : i32
        %dma_start3A_57 = tpu.memref_slice %arg11[%mul3A_55, %dma_start3A_56] : memref<10240x16xf32, #tpu.memory_space<vmem_shared>> -> memref<640x16xf32, #tpu.memory_space<vmem_shared>>
        %dma_start3A_58 = arith.constant 0 : i32
        %dma_start3A_59 = tpu.memref_slice %arg2[%mul3A_53, %dma_start3A_58] : memref<10240x16xf32, #tpu.memory_space<hbm>> -> memref<640x16xf32, #tpu.memory_space<hbm>>
        tpu.enqueue_dma source(%dma_start3A_59 : memref<640x16xf32, #tpu.memory_space<hbm>>) target(%dma_start3A_57 : memref<640x16xf32, #tpu.memory_space<vmem_shared>>) target_semaphore(%run_scoped3A : memref<!tpu.dma_semaphore, #tpu.memory_space<semaphore_mem>>)
        %dma_wait3A_60 = arith.constant 0 : i32
        %dma_wait3A_61 = tpu.memref_slice %arg11[%mul3A_55, %dma_wait3A_60] : memref<10240x16xf32, #tpu.memory_space<vmem_shared>> -> memref<640x16xf32, #tpu.memory_space<vmem_shared>>
        %dma_wait3A_62 = arith.constant 0 : i32
        %dma_wait3A_63 = tpu.memref_slice %arg2[%mul3A_53, %dma_wait3A_62] : memref<10240x16xf32, #tpu.memory_space<hbm>> -> memref<640x16xf32, #tpu.memory_space<hbm>>
        tpu.wait_dma2 semaphore(%run_scoped3A : memref<!tpu.dma_semaphore, #tpu.memory_space<semaphore_mem>>) src(%dma_wait3A_63 : memref<640x16xf32, #tpu.memory_space<hbm>>) dst(%dma_wait3A_61 : memref<640x16xf32, #tpu.memory_space<vmem_shared>>)
        tpu.yield
      }) : () -> ()
    } else {
    }
    %ne3A = arith.constant 0 : i32
    %ne3A_11 = arith.cmpi ne, %arg0, %ne3A : i32
    %convert_element_type3A_12 = arith.extui %ne3A_11 : i1 to i32
    %cond3A_13 = arith.constant 0 : i32
    %cond3A_14 = arith.cmpi ne, %convert_element_type3A_12, %cond3A_13 : i32
    scf.if %cond3A_14 {
      %scan3A_52 = arith.constant 0 : i32
      %scan3A_53 = arith.constant 0 : i32
      %scan3A_54 = arith.constant 128 : i32
      %scan3A_55 = arith.addi %scan3A_53, %scan3A_54 : i32
      %scan3A_56 = arith.constant 1 : i32
      %scan3A_57 = scf.for %scan3A_79 = %scan3A_53 to %scan3A_55 step %scan3A_56 iter_args(%scan3A_80 = %scan3A_52) -> (i32)  : i32 {
        %broadcast_in_dim3A = arith.constant 0.000000e+00 : f32
        %broadcast_in_dim3A_81 = vector.broadcast %broadcast_in_dim3A : f32 to vector<16xf32>
        %swap3A = arith.index_cast %scan3A_79 : i32 to index
        %swap3A_82 = arith.constant 0 : index
        %swap3A_83 = tpu.vector_load %arg8[%swap3A, %swap3A_82] {strides = array<i32>} : memref<128x16xf32, #tpu.memory_space<vmem>>, vector<1x16xf32>,
        %swap3A_84 = vector.shape_cast %swap3A_83 : vector<1x16xf32> to vector<16xf32>
        %swap3A_85 = vector.shape_cast %broadcast_in_dim3A_81 : vector<16xf32> to vector<1x16xf32>
        tpu.vector_store %arg8[%swap3A, %swap3A_82], %swap3A_85 {strides = array<i32>} : memref<128x16xf32, #tpu.memory_space<vmem>>, vector<1x16xf32>,
        %scan3A_86 = arith.constant 0 : i32
        scf.yield %scan3A_86 : i32
      }
      %scan3A_58 = arith.constant 128 : i32
      %mul3A_59 = arith.constant 640 : i32
      %mul3A_60 = arith.muli %arg1, %mul3A_59 : i32
      %add3A_61 = arith.constant 0 : i32
      %add3A_62 = arith.addi %mul3A_60, %add3A_61 : i32
      "tpu.region"() ({
        %run_scoped3A = tpu.sem_alloc : memref<!tpu.dma_semaphore, #tpu.memory_space<semaphore_mem>>
        %dma_start3A_79 = arith.constant 0 : i32
        %dma_start3A_80 = tpu.memref_slice %arg11[%add3A_62, %dma_start3A_79] : memref<10240x16xf32, #tpu.memory_space<vmem_shared>> -> memref<128x16xf32, #tpu.memory_space<vmem_shared>>
        %dma_start3A_81 = arith.constant 0 : i32
        %dma_start3A_82 = tpu.memref_slice %arg11[%add3A_62, %dma_start3A_81] : memref<10240x16xf32, #tpu.memory_space<vmem_shared>> -> memref<128x16xf32, #tpu.memory_space<vmem_shared>>
        tpu.enqueue_dma source(%arg8 : memref<128x16xf32, #tpu.memory_space<vmem>>) target(%dma_start3A_82 : memref<128x16xf32, #tpu.memory_space<vmem_shared>>) target_semaphore(%run_scoped3A : memref<!tpu.dma_semaphore, #tpu.memory_space<semaphore_mem>>)
        %dma_wait3A_83 = arith.constant 0 : i32
        %dma_wait3A_84 = tpu.memref_slice %arg11[%add3A_62, %dma_wait3A_83] : memref<10240x16xf32, #tpu.memory_space<vmem_shared>> -> memref<128x16xf32, #tpu.memory_space<vmem_shared>>
        %dma_wait3A_85 = arith.constant 0 : i32
        %dma_wait3A_86 = tpu.memref_slice %arg11[%add3A_62, %dma_wait3A_85] : memref<10240x16xf32, #tpu.memory_space<vmem_shared>> -> memref<128x16xf32, #tpu.memory_space<vmem_shared>>
        tpu.wait_dma2 semaphore(%run_scoped3A : memref<!tpu.dma_semaphore, #tpu.memory_space<semaphore_mem>>) src(%arg8 : memref<128x16xf32, #tpu.memory_space<vmem>>) dst(%dma_wait3A_86 : memref<128x16xf32, #tpu.memory_space<vmem_shared>>)
        tpu.yield
      }) : () -> ()
      %mul3A_63 = arith.constant 640 : i32
      %mul3A_64 = arith.muli %arg1, %mul3A_63 : i32
      %add3A_65 = arith.constant 128 : i32
      %add3A_66 = arith.addi %mul3A_64, %add3A_65 : i32
      "tpu.region"() ({
        %run_scoped3A = tpu.sem_alloc : memref<!tpu.dma_semaphore, #tpu.memory_space<semaphore_mem>>
        %dma_start3A_79 = arith.constant 0 : i32
        %dma_start3A_80 = tpu.memref_slice %arg11[%add3A_66, %dma_start3A_79] : memref<10240x16xf32, #tpu.memory_space<vmem_shared>> -> memref<128x16xf32, #tpu.memory_space<vmem_shared>>
        %dma_start3A_81 = arith.constant 0 : i32
        %dma_start3A_82 = tpu.memref_slice %arg11[%add3A_66, %dma_start3A_81] : memref<10240x16xf32, #tpu.memory_space<vmem_shared>> -> memref<128x16xf32, #tpu.memory_space<vmem_shared>>
        tpu.enqueue_dma source(%arg8 : memref<128x16xf32, #tpu.memory_space<vmem>>) target(%dma_start3A_82 : memref<128x16xf32, #tpu.memory_space<vmem_shared>>) target_semaphore(%run_scoped3A : memref<!tpu.dma_semaphore, #tpu.memory_space<semaphore_mem>>)
        %dma_wait3A_83 = arith.constant 0 : i32
        %dma_wait3A_84 = tpu.memref_slice %arg11[%add3A_66, %dma_wait3A_83] : memref<10240x16xf32, #tpu.memory_space<vmem_shared>> -> memref<128x16xf32, #tpu.memory_space<vmem_shared>>
        %dma_wait3A_85 = arith.constant 0 : i32
        %dma_wait3A_86 = tpu.memref_slice %arg11[%add3A_66, %dma_wait3A_85] : memref<10240x16xf32, #tpu.memory_space<vmem_shared>> -> memref<128x16xf32, #tpu.memory_space<vmem_shared>>
        tpu.wait_dma2 semaphore(%run_scoped3A : memref<!tpu.dma_semaphore, #tpu.memory_space<semaphore_mem>>) src(%arg8 : memref<128x16xf32, #tpu.memory_space<vmem>>) dst(%dma_wait3A_86 : memref<128x16xf32, #tpu.memory_space<vmem_shared>>)
        tpu.yield
      }) : () -> ()
      %mul3A_67 = arith.constant 640 : i32
      %mul3A_68 = arith.muli %arg1, %mul3A_67 : i32
      %add3A_69 = arith.constant 256 : i32
      %add3A_70 = arith.addi %mul3A_68, %add3A_69 : i32
      "tpu.region"() ({
        %run_scoped3A = tpu.sem_alloc : memref<!tpu.dma_semaphore, #tpu.memory_space<semaphore_mem>>
        %dma_start3A_79 = arith.constant 0 : i32
        %dma_start3A_80 = tpu.memref_slice %arg11[%add3A_70, %dma_start3A_79] : memref<10240x16xf32, #tpu.memory_space<vmem_shared>> -> memref<128x16xf32, #tpu.memory_space<vmem_shared>>
        %dma_start3A_81 = arith.constant 0 : i32
        %dma_start3A_82 = tpu.memref_slice %arg11[%add3A_70, %dma_start3A_81] : memref<10240x16xf32, #tpu.memory_space<vmem_shared>> -> memref<128x16xf32, #tpu.memory_space<vmem_shared>>
        tpu.enqueue_dma source(%arg8 : memref<128x16xf32, #tpu.memory_space<vmem>>) target(%dma_start3A_82 : memref<128x16xf32, #tpu.memory_space<vmem_shared>>) target_semaphore(%run_scoped3A : memref<!tpu.dma_semaphore, #tpu.memory_space<semaphore_mem>>)
        %dma_wait3A_83 = arith.constant 0 : i32
        %dma_wait3A_84 = tpu.memref_slice %arg11[%add3A_70, %dma_wait3A_83] : memref<10240x16xf32, #tpu.memory_space<vmem_shared>> -> memref<128x16xf32, #tpu.memory_space<vmem_shared>>
        %dma_wait3A_85 = arith.constant 0 : i32
        %dma_wait3A_86 = tpu.memref_slice %arg11[%add3A_70, %dma_wait3A_85] : memref<10240x16xf32, #tpu.memory_space<vmem_shared>> -> memref<128x16xf32, #tpu.memory_space<vmem_shared>>
        tpu.wait_dma2 semaphore(%run_scoped3A : memref<!tpu.dma_semaphore, #tpu.memory_space<semaphore_mem>>) src(%arg8 : memref<128x16xf32, #tpu.memory_space<vmem>>) dst(%dma_wait3A_86 : memref<128x16xf32, #tpu.memory_space<vmem_shared>>)
        tpu.yield
      }) : () -> ()
      %mul3A_71 = arith.constant 640 : i32
      %mul3A_72 = arith.muli %arg1, %mul3A_71 : i32
      %add3A_73 = arith.constant 384 : i32
      %add3A_74 = arith.addi %mul3A_72, %add3A_73 : i32
      "tpu.region"() ({
        %run_scoped3A = tpu.sem_alloc : memref<!tpu.dma_semaphore, #tpu.memory_space<semaphore_mem>>
        %dma_start3A_79 = arith.constant 0 : i32
        %dma_start3A_80 = tpu.memref_slice %arg11[%add3A_74, %dma_start3A_79] : memref<10240x16xf32, #tpu.memory_space<vmem_shared>> -> memref<128x16xf32, #tpu.memory_space<vmem_shared>>
        %dma_start3A_81 = arith.constant 0 : i32
        %dma_start3A_82 = tpu.memref_slice %arg11[%add3A_74, %dma_start3A_81] : memref<10240x16xf32, #tpu.memory_space<vmem_shared>> -> memref<128x16xf32, #tpu.memory_space<vmem_shared>>
        tpu.enqueue_dma source(%arg8 : memref<128x16xf32, #tpu.memory_space<vmem>>) target(%dma_start3A_82 : memref<128x16xf32, #tpu.memory_space<vmem_shared>>) target_semaphore(%run_scoped3A : memref<!tpu.dma_semaphore, #tpu.memory_space<semaphore_mem>>)
        %dma_wait3A_83 = arith.constant 0 : i32
        %dma_wait3A_84 = tpu.memref_slice %arg11[%add3A_74, %dma_wait3A_83] : memref<10240x16xf32, #tpu.memory_space<vmem_shared>> -> memref<128x16xf32, #tpu.memory_space<vmem_shared>>
        %dma_wait3A_85 = arith.constant 0 : i32
        %dma_wait3A_86 = tpu.memref_slice %arg11[%add3A_74, %dma_wait3A_85] : memref<10240x16xf32, #tpu.memory_space<vmem_shared>> -> memref<128x16xf32, #tpu.memory_space<vmem_shared>>
        tpu.wait_dma2 semaphore(%run_scoped3A : memref<!tpu.dma_semaphore, #tpu.memory_space<semaphore_mem>>) src(%arg8 : memref<128x16xf32, #tpu.memory_space<vmem>>) dst(%dma_wait3A_86 : memref<128x16xf32, #tpu.memory_space<vmem_shared>>)
        tpu.yield
      }) : () -> ()
      %mul3A_75 = arith.constant 640 : i32
      %mul3A_76 = arith.muli %arg1, %mul3A_75 : i32
      %add3A_77 = arith.constant 512 : i32
      %add3A_78 = arith.addi %mul3A_76, %add3A_77 : i32
      "tpu.region"() ({
        %run_scoped3A = tpu.sem_alloc : memref<!tpu.dma_semaphore, #tpu.memory_space<semaphore_mem>>
        %dma_start3A_79 = arith.constant 0 : i32
        %dma_start3A_80 = tpu.memref_slice %arg11[%add3A_78, %dma_start3A_79] : memref<10240x16xf32, #tpu.memory_space<vmem_shared>> -> memref<128x16xf32, #tpu.memory_space<vmem_shared>>
        %dma_start3A_81 = arith.constant 0 : i32
        %dma_start3A_82 = tpu.memref_slice %arg11[%add3A_78, %dma_start3A_81] : memref<10240x16xf32, #tpu.memory_space<vmem_shared>> -> memref<128x16xf32, #tpu.memory_space<vmem_shared>>
        tpu.enqueue_dma source(%arg8 : memref<128x16xf32, #tpu.memory_space<vmem>>) target(%dma_start3A_82 : memref<128x16xf32, #tpu.memory_space<vmem_shared>>) target_semaphore(%run_scoped3A : memref<!tpu.dma_semaphore, #tpu.memory_space<semaphore_mem>>)
        %dma_wait3A_83 = arith.constant 0 : i32
        %dma_wait3A_84 = tpu.memref_slice %arg11[%add3A_78, %dma_wait3A_83] : memref<10240x16xf32, #tpu.memory_space<vmem_shared>> -> memref<128x16xf32, #tpu.memory_space<vmem_shared>>
        %dma_wait3A_85 = arith.constant 0 : i32
        %dma_wait3A_86 = tpu.memref_slice %arg11[%add3A_78, %dma_wait3A_85] : memref<10240x16xf32, #tpu.memory_space<vmem_shared>> -> memref<128x16xf32, #tpu.memory_space<vmem_shared>>
        tpu.wait_dma2 semaphore(%run_scoped3A : memref<!tpu.dma_semaphore, #tpu.memory_space<semaphore_mem>>) src(%arg8 : memref<128x16xf32, #tpu.memory_space<vmem>>) dst(%dma_wait3A_86 : memref<128x16xf32, #tpu.memory_space<vmem_shared>>)
        tpu.yield
      }) : () -> ()
    } else {
    }
    %barrier3A = arith.constant 0 : index
    tpu.barrier barrier_id(%barrier3A)
    %dma_start3A = arith.constant 0 : i32
    %dma_start3A_15 = arith.constant 0 : i32
    %dma_start3A_16 = tpu.memref_slice %arg6[%dma_start3A, %dma_start3A_15] : memref<80x128xi32, #tpu.memory_space<vmem>> -> memref<1x128xi32, #tpu.memory_space<vmem>>
    %dma_start3A_17 = tpu.memref_squeeze %dma_start3A_16 : memref<1x128xi32, #tpu.memory_space<vmem>> -> memref<128xi32, #tpu.memory_space<vmem>>
    %dma_start3A_18 = arith.constant 0 : i32
    %dma_start3A_19 = arith.constant 0 : i32
    %dma_start3A_20 = tpu.memref_slice %arg10[%dma_start3A_18, %dma_start3A_19] : memref<10000x16xf32, #tpu.memory_space<vmem_shared>> -> memref<10000x16xf32, #tpu.memory_space<vmem_shared>>
    tpu.enqueue_indirect_dma source(%dma_start3A_20 : memref<10000x16xf32, #tpu.memory_space<vmem_shared>>) target(%arg8 : memref<128x16xf32, #tpu.memory_space<vmem>>) offsets(%dma_start3A_17 : memref<128xi32, #tpu.memory_space<vmem>>) semaphore(%arg12 : memref<!tpu.dma_semaphore, #tpu.memory_space<semaphore_mem>>)
    %dma_start3A_21 = arith.constant 1 : i32
    %dma_start3A_22 = arith.constant 0 : i32
    %dma_start3A_23 = tpu.memref_slice %arg6[%dma_start3A_21, %dma_start3A_22] : memref<80x128xi32, #tpu.memory_space<vmem>> -> memref<1x128xi32, #tpu.memory_space<vmem>>
    %dma_start3A_24 = tpu.memref_squeeze %dma_start3A_23 : memref<1x128xi32, #tpu.memory_space<vmem>> -> memref<128xi32, #tpu.memory_space<vmem>>
    %dma_start3A_25 = arith.constant 0 : i32
    %dma_start3A_26 = arith.constant 0 : i32
    %dma_start3A_27 = tpu.memref_slice %arg10[%dma_start3A_25, %dma_start3A_26] : memref<10000x16xf32, #tpu.memory_space<vmem_shared>> -> memref<10000x16xf32, #tpu.memory_space<vmem_shared>>
    tpu.enqueue_indirect_dma source(%dma_start3A_27 : memref<10000x16xf32, #tpu.memory_space<vmem_shared>>) target(%arg9 : memref<128x16xf32, #tpu.memory_space<vmem>>) offsets(%dma_start3A_24 : memref<128xi32, #tpu.memory_space<vmem>>) semaphore(%arg13 : memref<!tpu.dma_semaphore, #tpu.memory_space<semaphore_mem>>)
    %scan3A = arith.constant 0 : i32
    %scan3A_28 = arith.constant 0 : i32
    %scan3A_29 = arith.constant 40 : i32
    %scan3A_30 = arith.addi %scan3A_28, %scan3A_29 : i32
    %scan3A_31 = arith.constant 1 : i32
    %scan3A_32 = scf.for %scan3A_52 = %scan3A_28 to %scan3A_30 step %scan3A_31 iter_args(%scan3A_53 = %scan3A) -> (i32)  : i32 {
      %mul3A_54 = arith.constant 2 : i32
      %mul3A_55 = arith.muli %mul3A_54, %scan3A_52 : i32
      %add3A_56 = arith.constant 0 : i32
      %add3A_57 = arith.addi %mul3A_55, %add3A_56 : i32
      %dma_wait3A_58 = arith.constant 0 : i32
      %dma_wait3A_59 = tpu.memref_slice %arg6[%add3A_57, %dma_wait3A_58] : memref<80x128xi32, #tpu.memory_space<vmem>> -> memref<1x128xi32, #tpu.memory_space<vmem>>
      %dma_wait3A_60 = tpu.memref_squeeze %dma_wait3A_59 : memref<1x128xi32, #tpu.memory_space<vmem>> -> memref<128xi32, #tpu.memory_space<vmem>>
      %dma_wait3A_61 = arith.constant 0 : i32
      %dma_wait3A_62 = arith.constant 0 : i32
      %dma_wait3A_63 = tpu.memref_slice %arg10[%dma_wait3A_61, %dma_wait3A_62] : memref<10000x16xf32, #tpu.memory_space<vmem_shared>> -> memref<10000x16xf32, #tpu.memory_space<vmem_shared>>
      tpu.wait_indirect_dma semaphore(%arg12 : memref<!tpu.dma_semaphore, #tpu.memory_space<semaphore_mem>>) src(%dma_wait3A_63 : memref<10000x16xf32, #tpu.memory_space<vmem_shared>>) dst(%arg8 : memref<128x16xf32, #tpu.memory_space<vmem>>)
      %add3A_64 = arith.constant 0 : i32
      %add3A_65 = arith.addi %mul3A_55, %add3A_64 : i32
      "tpu.region"() ({
        %run_scoped3A = tpu.sem_alloc : memref<!tpu.dma_semaphore, #tpu.memory_space<semaphore_mem>>
        %dma_start3A_104 = arith.constant 0 : i32
        %dma_start3A_105 = tpu.memref_slice %arg7[%add3A_65, %dma_start3A_104] : memref<80x128xi32, #tpu.memory_space<vmem>> -> memref<1x128xi32, #tpu.memory_space<vmem>>
        %dma_start3A_106 = tpu.memref_squeeze %dma_start3A_105 : memref<1x128xi32, #tpu.memory_space<vmem>> -> memref<128xi32, #tpu.memory_space<vmem>>
        %dma_start3A_107 = arith.constant 0 : i32
        %dma_start3A_108 = arith.constant 0 : i32
        %dma_start3A_109 = tpu.memref_slice %arg11[%dma_start3A_107, %dma_start3A_108] : memref<10240x16xf32, #tpu.memory_space<vmem_shared>> -> memref<10240x16xf32, #tpu.memory_space<vmem_shared>>
        tpu.enqueue_indirect_dma source(%arg8 : memref<128x16xf32, #tpu.memory_space<vmem>>) target(%dma_start3A_109 : memref<10240x16xf32, #tpu.memory_space<vmem_shared>>) offsets(%dma_start3A_106 : memref<128xi32, #tpu.memory_space<vmem>>) semaphore(%run_scoped3A : memref<!tpu.dma_semaphore, #tpu.memory_space<semaphore_mem>>) {add = true}
        %dma_wait3A_110 = arith.constant 0 : i32
        %dma_wait3A_111 = tpu.memref_slice %arg7[%add3A_65, %dma_wait3A_110] : memref<80x128xi32, #tpu.memory_space<vmem>> -> memref<1x128xi32, #tpu.memory_space<vmem>>
        %dma_wait3A_112 = tpu.memref_squeeze %dma_wait3A_111 : memref<1x128xi32, #tpu.memory_space<vmem>> -> memref<128xi32, #tpu.memory_space<vmem>>
        %dma_wait3A_113 = arith.constant 0 : i32
        %dma_wait3A_114 = arith.constant 0 : i32
        %dma_wait3A_115 = tpu.memref_slice %arg11[%dma_wait3A_113, %dma_wait3A_114] : memref<10240x16xf32, #tpu.memory_space<vmem_shared>> -> memref<10240x16xf32, #tpu.memory_space<vmem_shared>>
        tpu.wait_indirect_dma semaphore(%run_scoped3A : memref<!tpu.dma_semaphore, #tpu.memory_space<semaphore_mem>>) src(%arg8 : memref<128x16xf32, #tpu.memory_space<vmem>>) dst(%dma_wait3A_115 : memref<10240x16xf32, #tpu.memory_space<vmem_shared>>)
        tpu.yield
      }) : () -> ()
      %add3A_66 = arith.constant 0 : i32
      %add3A_67 = arith.addi %mul3A_55, %add3A_66 : i32
      %add3A_68 = arith.constant 2 : i32
      %add3A_69 = arith.addi %add3A_67, %add3A_68 : i32
      %ge3A = arith.constant 80 : i32
      %ge3A_70 = arith.cmpi sge, %add3A_69, %ge3A : i32
      %sub3A = arith.constant 80 : i32
      %sub3A_71 = arith.subi %add3A_69, %sub3A : i32
      %select_n3A = arith.select %ge3A_70, %sub3A_71, %add3A_69 : i32
      %dma_start3A_72 = arith.constant 0 : i32
      %dma_start3A_73 = tpu.memref_slice %arg6[%select_n3A, %dma_start3A_72] : memref<80x128xi32, #tpu.memory_space<vmem>> -> memref<1x128xi32, #tpu.memory_space<vmem>>
      %dma_start3A_74 = tpu.memref_squeeze %dma_start3A_73 : memref<1x128xi32, #tpu.memory_space<vmem>> -> memref<128xi32, #tpu.memory_space<vmem>>
      %dma_start3A_75 = arith.constant 0 : i32
      %dma_start3A_76 = arith.constant 0 : i32
      %dma_start3A_77 = tpu.memref_slice %arg10[%dma_start3A_75, %dma_start3A_76] : memref<10000x16xf32, #tpu.memory_space<vmem_shared>> -> memref<10000x16xf32, #tpu.memory_space<vmem_shared>>
      tpu.enqueue_indirect_dma source(%dma_start3A_77 : memref<10000x16xf32, #tpu.memory_space<vmem_shared>>) target(%arg8 : memref<128x16xf32, #tpu.memory_space<vmem>>) offsets(%dma_start3A_74 : memref<128xi32, #tpu.memory_space<vmem>>) semaphore(%arg12 : memref<!tpu.dma_semaphore, #tpu.memory_space<semaphore_mem>>)
      %add3A_78 = arith.constant 1 : i32
      %add3A_79 = arith.addi %mul3A_55, %add3A_78 : i32
      %dma_wait3A_80 = arith.constant 0 : i32
      %dma_wait3A_81 = tpu.memref_slice %arg6[%add3A_79, %dma_wait3A_80] : memref<80x128xi32, #tpu.memory_space<vmem>> -> memref<1x128xi32, #tpu.memory_space<vmem>>
      %dma_wait3A_82 = tpu.memref_squeeze %dma_wait3A_81 : memref<1x128xi32, #tpu.memory_space<vmem>> -> memref<128xi32, #tpu.memory_space<vmem>>
      %dma_wait3A_83 = arith.constant 0 : i32
      %dma_wait3A_84 = arith.constant 0 : i32
      %dma_wait3A_85 = tpu.memref_slice %arg10[%dma_wait3A_83, %dma_wait3A_84] : memref<10000x16xf32, #tpu.memory_space<vmem_shared>> -> memref<10000x16xf32, #tpu.memory_space<vmem_shared>>
      tpu.wait_indirect_dma semaphore(%arg13 : memref<!tpu.dma_semaphore, #tpu.memory_space<semaphore_mem>>) src(%dma_wait3A_85 : memref<10000x16xf32, #tpu.memory_space<vmem_shared>>) dst(%arg9 : memref<128x16xf32, #tpu.memory_space<vmem>>)
      %add3A_86 = arith.constant 1 : i32
      %add3A_87 = arith.addi %mul3A_55, %add3A_86 : i32
      "tpu.region"() ({
        %run_scoped3A = tpu.sem_alloc : memref<!tpu.dma_semaphore, #tpu.memory_space<semaphore_mem>>
        %dma_start3A_104 = arith.constant 0 : i32
        %dma_start3A_105 = tpu.memref_slice %arg7[%add3A_87, %dma_start3A_104] : memref<80x128xi32, #tpu.memory_space<vmem>> -> memref<1x128xi32, #tpu.memory_space<vmem>>
        %dma_start3A_106 = tpu.memref_squeeze %dma_start3A_105 : memref<1x128xi32, #tpu.memory_space<vmem>> -> memref<128xi32, #tpu.memory_space<vmem>>
        %dma_start3A_107 = arith.constant 0 : i32
        %dma_start3A_108 = arith.constant 0 : i32
        %dma_start3A_109 = tpu.memref_slice %arg11[%dma_start3A_107, %dma_start3A_108] : memref<10240x16xf32, #tpu.memory_space<vmem_shared>> -> memref<10240x16xf32, #tpu.memory_space<vmem_shared>>
        tpu.enqueue_indirect_dma source(%arg9 : memref<128x16xf32, #tpu.memory_space<vmem>>) target(%dma_start3A_109 : memref<10240x16xf32, #tpu.memory_space<vmem_shared>>) offsets(%dma_start3A_106 : memref<128xi32, #tpu.memory_space<vmem>>) semaphore(%run_scoped3A : memref<!tpu.dma_semaphore, #tpu.memory_space<semaphore_mem>>) {add = true}
        %dma_wait3A_110 = arith.constant 0 : i32
        %dma_wait3A_111 = tpu.memref_slice %arg7[%add3A_87, %dma_wait3A_110] : memref<80x128xi32, #tpu.memory_space<vmem>> -> memref<1x128xi32, #tpu.memory_space<vmem>>
        %dma_wait3A_112 = tpu.memref_squeeze %dma_wait3A_111 : memref<1x128xi32, #tpu.memory_space<vmem>> -> memref<128xi32, #tpu.memory_space<vmem>>
        %dma_wait3A_113 = arith.constant 0 : i32
        %dma_wait3A_114 = arith.constant 0 : i32
        %dma_wait3A_115 = tpu.memref_slice %arg11[%dma_wait3A_113, %dma_wait3A_114] : memref<10240x16xf32, #tpu.memory_space<vmem_shared>> -> memref<10240x16xf32, #tpu.memory_space<vmem_shared>>
        tpu.wait_indirect_dma semaphore(%run_scoped3A : memref<!tpu.dma_semaphore, #tpu.memory_space<semaphore_mem>>) src(%arg9 : memref<128x16xf32, #tpu.memory_space<vmem>>) dst(%dma_wait3A_115 : memref<10240x16xf32, #tpu.memory_space<vmem_shared>>)
        tpu.yield
      }) : () -> ()
      %add3A_88 = arith.constant 1 : i32
      %add3A_89 = arith.addi %mul3A_55, %add3A_88 : i32
      %add3A_90 = arith.constant 2 : i32
      %add3A_91 = arith.addi %add3A_89, %add3A_90 : i32
      %ge3A_92 = arith.constant 80 : i32
      %ge3A_93 = arith.cmpi sge, %add3A_91, %ge3A_92 : i32
      %sub3A_94 = arith.constant 80 : i32
      %sub3A_95 = arith.subi %add3A_91, %sub3A_94 : i32
      %select_n3A_96 = arith.select %ge3A_93, %sub3A_95, %add3A_91 : i32
      %dma_start3A_97 = arith.constant 0 : i32
      %dma_start3A_98 = tpu.memref_slice %arg6[%select_n3A_96, %dma_start3A_97] : memref<80x128xi32, #tpu.memory_space<vmem>> -> memref<1x128xi32, #tpu.memory_space<vmem>>
      %dma_start3A_99 = tpu.memref_squeeze %dma_start3A_98 : memref<1x128xi32, #tpu.memory_space<vmem>> -> memref<128xi32, #tpu.memory_space<vmem>>
      %dma_start3A_100 = arith.constant 0 : i32
      %dma_start3A_101 = arith.constant 0 : i32
      %dma_start3A_102 = tpu.memref_slice %arg10[%dma_start3A_100, %dma_start3A_101] : memref<10000x16xf32, #tpu.memory_space<vmem_shared>> -> memref<10000x16xf32, #tpu.memory_space<vmem_shared>>
      tpu.enqueue_indirect_dma source(%dma_start3A_102 : memref<10000x16xf32, #tpu.memory_space<vmem_shared>>) target(%arg9 : memref<128x16xf32, #tpu.memory_space<vmem>>) offsets(%dma_start3A_99 : memref<128xi32, #tpu.memory_space<vmem>>) semaphore(%arg13 : memref<!tpu.dma_semaphore, #tpu.memory_space<semaphore_mem>>)
      %scan3A_103 = arith.constant 0 : i32
      scf.yield %scan3A_103 : i32
    }
    %scan3A_33 = arith.constant 40 : i32
    %dma_wait3A = arith.constant 0 : i32
    %dma_wait3A_34 = arith.constant 0 : i32
    %dma_wait3A_35 = tpu.memref_slice %arg6[%dma_wait3A, %dma_wait3A_34] : memref<80x128xi32, #tpu.memory_space<vmem>> -> memref<1x128xi32, #tpu.memory_space<vmem>>
    %dma_wait3A_36 = tpu.memref_squeeze %dma_wait3A_35 : memref<1x128xi32, #tpu.memory_space<vmem>> -> memref<128xi32, #tpu.memory_space<vmem>>
    %dma_wait3A_37 = arith.constant 0 : i32
    %dma_wait3A_38 = arith.constant 0 : i32
    %dma_wait3A_39 = tpu.memref_slice %arg10[%dma_wait3A_37, %dma_wait3A_38] : memref<10000x16xf32, #tpu.memory_space<vmem_shared>> -> memref<10000x16xf32, #tpu.memory_space<vmem_shared>>
    tpu.wait_indirect_dma semaphore(%arg12 : memref<!tpu.dma_semaphore, #tpu.memory_space<semaphore_mem>>) src(%dma_wait3A_39 : memref<10000x16xf32, #tpu.memory_space<vmem_shared>>) dst(%arg8 : memref<128x16xf32, #tpu.memory_space<vmem>>)
    %dma_wait3A_40 = arith.constant 1 : i32
    %dma_wait3A_41 = arith.constant 0 : i32
    %dma_wait3A_42 = tpu.memref_slice %arg6[%dma_wait3A_40, %dma_wait3A_41] : memref<80x128xi32, #tpu.memory_space<vmem>> -> memref<1x128xi32, #tpu.memory_space<vmem>>
    %dma_wait3A_43 = tpu.memref_squeeze %dma_wait3A_42 : memref<1x128xi32, #tpu.memory_space<vmem>> -> memref<128xi32, #tpu.memory_space<vmem>>
    %dma_wait3A_44 = arith.constant 0 : i32
    %dma_wait3A_45 = arith.constant 0 : i32
    %dma_wait3A_46 = tpu.memref_slice %arg10[%dma_wait3A_44, %dma_wait3A_45] : memref<10000x16xf32, #tpu.memory_space<vmem_shared>> -> memref<10000x16xf32, #tpu.memory_space<vmem_shared>>
    tpu.wait_indirect_dma semaphore(%arg13 : memref<!tpu.dma_semaphore, #tpu.memory_space<semaphore_mem>>) src(%dma_wait3A_46 : memref<10000x16xf32, #tpu.memory_space<vmem_shared>>) dst(%arg9 : memref<128x16xf32, #tpu.memory_space<vmem>>)
    %barrier3A_47 = arith.constant 0 : index
    tpu.barrier barrier_id(%barrier3A_47)
    %mul3A_48 = arith.constant 640 : i32
    %mul3A_49 = arith.muli %arg1, %mul3A_48 : i32
    %mul3A_50 = arith.constant 640 : i32
    %mul3A_51 = arith.muli %arg1, %mul3A_50 : i32
    "tpu.region"() ({
      %run_scoped3A = tpu.sem_alloc : memref<!tpu.dma_semaphore, #tpu.memory_space<semaphore_mem>>
      %dma_start3A_52 = arith.constant 0 : i32
      %dma_start3A_53 = tpu.memref_slice %arg5[%arg0, %mul3A_51, %dma_start3A_52] : memref<2x10240x16xf32, #tpu.memory_space<hbm>> -> memref<1x640x16xf32, #tpu.memory_space<hbm>>
      %dma_start3A_54 = tpu.memref_squeeze %dma_start3A_53 : memref<1x640x16xf32, #tpu.memory_space<hbm>> -> memref<640x16xf32, #tpu.memory_space<hbm>>
      %dma_start3A_55 = arith.constant 0 : i32
      %dma_start3A_56 = tpu.memref_slice %arg11[%mul3A_49, %dma_start3A_55] : memref<10240x16xf32, #tpu.memory_space<vmem_shared>> -> memref<640x16xf32, #tpu.memory_space<vmem_shared>>
      tpu.enqueue_dma source(%dma_start3A_56 : memref<640x16xf32, #tpu.memory_space<vmem_shared>>) target(%dma_start3A_54 : memref<640x16xf32, #tpu.memory_space<hbm>>) target_semaphore(%run_scoped3A : memref<!tpu.dma_semaphore, #tpu.memory_space<semaphore_mem>>)
      %dma_wait3A_57 = arith.constant 0 : i32
      %dma_wait3A_58 = tpu.memref_slice %arg5[%arg0, %mul3A_51, %dma_wait3A_57] : memref<2x10240x16xf32, #tpu.memory_space<hbm>> -> memref<1x640x16xf32, #tpu.memory_space<hbm>>
      %dma_wait3A_59 = tpu.memref_squeeze %dma_wait3A_58 : memref<1x640x16xf32, #tpu.memory_space<hbm>> -> memref<640x16xf32, #tpu.memory_space<hbm>>
      %dma_wait3A_60 = arith.constant 0 : i32
      %dma_wait3A_61 = tpu.memref_slice %arg11[%mul3A_49, %dma_wait3A_60] : memref<10240x16xf32, #tpu.memory_space<vmem_shared>> -> memref<640x16xf32, #tpu.memory_space<vmem_shared>>
      tpu.wait_dma2 semaphore(%run_scoped3A : memref<!tpu.dma_semaphore, #tpu.memory_space<semaphore_mem>>) src(%dma_wait3A_61 : memref<640x16xf32, #tpu.memory_space<vmem_shared>>) dst(%dma_wait3A_59 : memref<640x16xf32, #tpu.memory_space<hbm>>)
      tpu.yield
    }) : () -> ()
    return
  }
}

module attributes {stable_mosaic.version = 14 : i64} {
  func.func @body(%arg0: i32, %arg1: memref<1000x128xf32, #tpu.memory_space<vmem>>, %arg2: memref<128x128xf32, #tpu.memory_space<vmem>>, %arg3: memref<2x1000x16xf32, #tpu.memory_space<vmem>>, %arg4: memref<2x1000x64xf32, #tpu.memory_space<vmem>>) attributes {dimension_semantics = [#tpu.dimension_semantics<arbitrary>], iteration_bounds = array<i64: 10>, scalar_prefetch = 0 : i64, scratch_operands = 0 : i64, tpu.core_type = #tpu.core_type<tc>, window_params = [{transform_indices = @transform_0, window_bounds = array<i64: 1000, 128>}, {pipeline_mode = #tpu.pipeline_mode<synchronous>, transform_indices = @transform_1, window_bounds = array<i64: 128, 128>}, {transform_indices = @transform_2, window_bounds = array<i64: 2, 1000, 16>}, {transform_indices = @transform_3, window_bounds = array<i64: 2, 1000, 64>}]} {
    %get3A = arith.constant 0 : index
    %get3A_0 = arith.constant 0 : index
    %get3A_1 = vector.load %arg1[%get3A, %get3A_0] : memref<1000x128xf32, #tpu.memory_space<vmem>>, vector<1000x128xf32>
    %get3A_2 = arith.constant 0 : index
    %get3A_3 = arith.constant 0 : index
    %get3A_4 = vector.load %arg2[%get3A_2, %get3A_3] : memref<128x128xf32, #tpu.memory_space<vmem>>, vector<128x128xf32>
    %dot_general3A = arith.constant dense<0.000000e+00> : vector<1000x128xf32>
    %dot_general3A_5 = tpu.matmul %get3A_1, %get3A_4, %dot_general3A {dimension_numbers = #tpu.dot_dimension_numbers<[1], [0], [0], [1], [0, 0, 1, 1], [], []>, transpose_lhs_hint = false} : vector<1000x128xf32>, vector<128x128xf32>, vector<1000x128xf32> -> vector<1000x128xf32>
    %get3A_6 = arith.constant 0 : index
    %get3A_7 = arith.constant 0 : index
    %get3A_8 = arith.constant 0 : index
    %get3A_9 = vector.load %arg3[%get3A_6, %get3A_7, %get3A_8] : memref<2x1000x16xf32, #tpu.memory_space<vmem>>, vector<1x1000x1xf32>
    %get3A_10 = vector.shape_cast %get3A_9 : vector<1x1000x1xf32> to vector<1000x1xf32>
    %get3A_11 = arith.constant 1 : index
    %get3A_12 = arith.constant 0 : index
    %get3A_13 = arith.constant 0 : index
    %get3A_14 = vector.load %arg3[%get3A_11, %get3A_12, %get3A_13] : memref<2x1000x16xf32, #tpu.memory_space<vmem>>, vector<1x1000x1xf32>
    %get3A_15 = vector.shape_cast %get3A_14 : vector<1x1000x1xf32> to vector<1000x1xf32>
    %add3A = arith.constant 1.000000e+00 : f32
    %add3A_16 = vector.broadcast %add3A : f32 to vector<1000x1xf32>
    %add3A_17 = arith.addf %add3A_16, %get3A_10 : vector<1000x1xf32>
    %add3A_18 = arith.addf %add3A_17, %get3A_15 : vector<1000x1xf32>
    %rsqrt3A = math.rsqrt %add3A_18 : vector<1000x1xf32>
    %mul3A = vector.broadcast %rsqrt3A : vector<1000x1xf32> to vector<1000x128xf32>
    %mul3A_19 = arith.mulf %dot_general3A_5, %mul3A : vector<1000x128xf32>
    %slice3A = vector.extract_strided_slice %mul3A_19 {offsets = [0, 0], sizes = [1000, 64], strides = [1, 1]} : vector<1000x128xf32> to vector<1000x64xf32>
    %swap3A = arith.constant 0 : index
    %swap3A_20 = arith.constant 0 : index
    %swap3A_21 = arith.constant 0 : index
    %swap3A_22 = vector.load %arg4[%swap3A, %swap3A_20, %swap3A_21] : memref<2x1000x64xf32, #tpu.memory_space<vmem>>, vector<1x1000x64xf32>
    %swap3A_23 = vector.shape_cast %swap3A_22 : vector<1x1000x64xf32> to vector<1000x64xf32>
    %swap3A_24 = vector.shape_cast %slice3A : vector<1000x64xf32> to vector<1x1000x64xf32>
    tpu.vector_store %arg4[%swap3A, %swap3A_20, %swap3A_21], %swap3A_24 {strides = array<i32>} : memref<2x1000x64xf32, #tpu.memory_space<vmem>>, vector<1x1000x64xf32>,
    %slice3A_25 = vector.extract_strided_slice %mul3A_19 {offsets = [0, 64], sizes = [1000, 64], strides = [1, 1]} : vector<1000x128xf32> to vector<1000x64xf32>
    %swap3A_26 = arith.constant 1 : index
    %swap3A_27 = arith.constant 0 : index
    %swap3A_28 = arith.constant 0 : index
    %swap3A_29 = vector.load %arg4[%swap3A_26, %swap3A_27, %swap3A_28] : memref<2x1000x64xf32, #tpu.memory_space<vmem>>, vector<1x1000x64xf32>
    %swap3A_30 = vector.shape_cast %swap3A_29 : vector<1x1000x64xf32> to vector<1000x64xf32>
    %swap3A_31 = vector.shape_cast %slice3A_25 : vector<1000x64xf32> to vector<1x1000x64xf32>
    tpu.vector_store %arg4[%swap3A_26, %swap3A_27, %swap3A_28], %swap3A_31 {strides = array<i32>} : memref<2x1000x64xf32, #tpu.memory_space<vmem>>, vector<1x1000x64xf32>,
    return
  }
  func.func @transform_0(%arg0: i32) -> (i32, i32) {
    %c0_i32 = arith.constant 0 : i32
    %c0_i32_0 = arith.constant 0 : i32
    return %arg0, %c0_i32 : i32, i32
  }
  func.func @transform_1(%arg0: i32) -> (i32, i32) {
    %c0_i32 = arith.constant 0 : i32
    %c0_i32_0 = arith.constant 0 : i32
    %c0_i32_1 = arith.constant 0 : i32
    return %c0_i32, %c0_i32_0 : i32, i32
  }
  func.func @transform_2(%arg0: i32) -> (i32, i32, i32) {
    %c0_i32 = arith.constant 0 : i32
    %c0_i32_0 = arith.constant 0 : i32
    %c0_i32_1 = arith.constant 0 : i32
    return %c0_i32, %arg0, %c0_i32_0 : i32, i32, i32
  }
  func.func @transform_3(%arg0: i32) -> (i32, i32, i32) {
    %c0_i32 = arith.constant 0 : i32
    %c0_i32_0 = arith.constant 0 : i32
    %c0_i32_1 = arith.constant 0 : i32
    return %c0_i32, %arg0, %c0_i32_0 : i32, i32, i32
  }
}

module attributes {stable_mosaic.version = 14 : i64} {
  func.func @body(%arg0: i32, %arg1: memref<2x1000x64xf32, #tpu.memory_space<vmem>>, %arg2: memref<2x1000x16xf32, #tpu.memory_space<vmem>>, %arg3: memref<128xf32, #tpu.memory_space<vmem>>, %arg4: memref<128x16xf32, #tpu.memory_space<vmem>>, %arg5: memref<1000x16xf32, #tpu.memory_space<vmem>>) attributes {dimension_semantics = [#tpu.dimension_semantics<arbitrary>], iteration_bounds = array<i64: 10>, scalar_prefetch = 0 : i64, scratch_operands = 0 : i64, tpu.core_type = #tpu.core_type<tc>, window_params = [{transform_indices = @transform_0, window_bounds = array<i64: 2, 1000, 64>}, {transform_indices = @transform_1, window_bounds = array<i64: 2, 1000, 16>}, {pipeline_mode = #tpu.pipeline_mode<synchronous>, transform_indices = @transform_2, window_bounds = array<i64: 128>}, {pipeline_mode = #tpu.pipeline_mode<synchronous>, transform_indices = @transform_3, window_bounds = array<i64: 128, 16>}, {transform_indices = @transform_4, window_bounds = array<i64: 1000, 16>}]} {
    %get3A = arith.constant 0 : index
    %get3A_0 = arith.constant 0 : index
    %get3A_1 = arith.constant 0 : index
    %get3A_2 = vector.load %arg2[%get3A, %get3A_0, %get3A_1] : memref<2x1000x16xf32, #tpu.memory_space<vmem>>, vector<1x1000x1xf32>
    %get3A_3 = vector.shape_cast %get3A_2 : vector<1x1000x1xf32> to vector<1000x1xf32>
    %get3A_4 = arith.constant 1 : index
    %get3A_5 = arith.constant 0 : index
    %get3A_6 = arith.constant 0 : index
    %get3A_7 = vector.load %arg2[%get3A_4, %get3A_5, %get3A_6] : memref<2x1000x16xf32, #tpu.memory_space<vmem>>, vector<1x1000x1xf32>
    %get3A_8 = vector.shape_cast %get3A_7 : vector<1x1000x1xf32> to vector<1000x1xf32>
    %add3A = arith.constant 1.000000e+00 : f32
    %add3A_9 = vector.broadcast %add3A : f32 to vector<1000x1xf32>
    %add3A_10 = arith.addf %add3A_9, %get3A_3 : vector<1000x1xf32>
    %add3A_11 = arith.addf %add3A_10, %get3A_8 : vector<1000x1xf32>
    %rsqrt3A = math.rsqrt %add3A_11 : vector<1000x1xf32>
    %get3A_12 = arith.constant 0 : index
    %get3A_13 = arith.constant 0 : index
    %get3A_14 = arith.constant 0 : index
    %get3A_15 = vector.load %arg1[%get3A_12, %get3A_13, %get3A_14] : memref<2x1000x64xf32, #tpu.memory_space<vmem>>, vector<1x1000x64xf32>
    %get3A_16 = vector.shape_cast %get3A_15 : vector<1x1000x64xf32> to vector<1000x64xf32>
    %get3A_17 = arith.constant 1 : index
    %get3A_18 = arith.constant 0 : index
    %get3A_19 = arith.constant 0 : index
    %get3A_20 = vector.load %arg1[%get3A_17, %get3A_18, %get3A_19] : memref<2x1000x64xf32, #tpu.memory_space<vmem>>, vector<1x1000x64xf32>
    %get3A_21 = vector.shape_cast %get3A_20 : vector<1x1000x64xf32> to vector<1000x64xf32>
    %concatenate3A = tpu.concatenate %get3A_16, %get3A_21 in 1 : vector<1000x64xf32>, vector<1000x64xf32> -> vector<1000x128xf32>
    %mul3A = vector.broadcast %rsqrt3A : vector<1000x1xf32> to vector<1000x128xf32>
    %mul3A_22 = arith.mulf %concatenate3A, %mul3A : vector<1000x128xf32>
    %get3A_23 = arith.constant 0 : index
    %get3A_24 = vector.load %arg3[%get3A_23] : memref<128xf32, #tpu.memory_space<vmem>>, vector<128xf32>
    %broadcast_in_dim3A = vector.shape_cast %get3A_24 : vector<128xf32> to vector<1x128xf32>
    %add3A_25 = vector.broadcast %broadcast_in_dim3A : vector<1x128xf32> to vector<1000x128xf32>
    %add3A_26 = arith.addf %mul3A_22, %add3A_25 : vector<1000x128xf32>
    %max3A = arith.constant 0.000000e+00 : f32
    %max3A_27 = vector.broadcast %max3A : f32 to vector<1000x128xf32>
    %max3A_28 = arith.maximumf %add3A_26, %max3A_27 : vector<1000x128xf32>
    %get3A_29 = arith.constant 0 : index
    %get3A_30 = arith.constant 0 : index
    %get3A_31 = vector.load %arg4[%get3A_29, %get3A_30] : memref<128x16xf32, #tpu.memory_space<vmem>>, vector<128x16xf32>
    %dot_general3A = arith.constant dense<0.000000e+00> : vector<1000x16xf32>
    %dot_general3A_32 = tpu.matmul %max3A_28, %get3A_31, %dot_general3A {dimension_numbers = #tpu.dot_dimension_numbers<[1], [0], [0], [1], [0, 0, 1, 1], [], []>, transpose_lhs_hint = false} : vector<1000x128xf32>, vector<128x16xf32>, vector<1000x16xf32> -> vector<1000x16xf32>
    %mul3A_33 = vector.broadcast %rsqrt3A : vector<1000x1xf32> to vector<1000x16xf32>
    %mul3A_34 = arith.mulf %dot_general3A_32, %mul3A_33 : vector<1000x16xf32>
    %swap3A = arith.constant 0 : index
    %swap3A_35 = arith.constant 0 : index
    %swap3A_36 = vector.load %arg5[%swap3A, %swap3A_35] : memref<1000x16xf32, #tpu.memory_space<vmem>>, vector<1000x16xf32>
    tpu.vector_store %arg5[%swap3A, %swap3A_35], %mul3A_34 {strides = array<i32>} : memref<1000x16xf32, #tpu.memory_space<vmem>>, vector<1000x16xf32>,
    return
  }
  func.func @transform_0(%arg0: i32) -> (i32, i32, i32) {
    %c0_i32 = arith.constant 0 : i32
    %c0_i32_0 = arith.constant 0 : i32
    %c0_i32_1 = arith.constant 0 : i32
    return %c0_i32, %arg0, %c0_i32_0 : i32, i32, i32
  }
  func.func @transform_1(%arg0: i32) -> (i32, i32, i32) {
    %c0_i32 = arith.constant 0 : i32
    %c0_i32_0 = arith.constant 0 : i32
    %c0_i32_1 = arith.constant 0 : i32
    return %c0_i32, %arg0, %c0_i32_0 : i32, i32, i32
  }
  func.func @transform_2(%arg0: i32) -> i32 {
    %c0_i32 = arith.constant 0 : i32
    %c0_i32_0 = arith.constant 0 : i32
    return %c0_i32 : i32
  }
  func.func @transform_3(%arg0: i32) -> (i32, i32) {
    %c0_i32 = arith.constant 0 : i32
    %c0_i32_0 = arith.constant 0 : i32
    %c0_i32_1 = arith.constant 0 : i32
    return %c0_i32, %c0_i32_0 : i32, i32
  }
  func.func @transform_4(%arg0: i32) -> (i32, i32) {
    %c0_i32 = arith.constant 0 : i32
    %c0_i32_0 = arith.constant 0 : i32
    return %arg0, %c0_i32 : i32, i32
  }
}

module attributes {stable_mosaic.version = 14 : i64} {
  func.func @body(%arg0: i32, %arg1: memref<2x1000x16xf32, #tpu.memory_space<vmem>>, %arg2: memref<2x1000x16xf32, #tpu.memory_space<vmem>>, %arg3: memref<16xf32, #tpu.memory_space<vmem>>, %arg4: memref<1000x16xf32, #tpu.memory_space<vmem>>) attributes {dimension_semantics = [#tpu.dimension_semantics<arbitrary>], iteration_bounds = array<i64: 10>, scalar_prefetch = 0 : i64, scratch_operands = 0 : i64, tpu.core_type = #tpu.core_type<tc>, window_params = [{transform_indices = @transform_0, window_bounds = array<i64: 2, 1000, 16>}, {transform_indices = @transform_1, window_bounds = array<i64: 2, 1000, 16>}, {pipeline_mode = #tpu.pipeline_mode<synchronous>, transform_indices = @transform_2, window_bounds = array<i64: 16>}, {transform_indices = @transform_3, window_bounds = array<i64: 1000, 16>}]} {
    %get3A = arith.constant 0 : index
    %get3A_0 = arith.constant 0 : index
    %get3A_1 = arith.constant 0 : index
    %get3A_2 = vector.load %arg2[%get3A, %get3A_0, %get3A_1] : memref<2x1000x16xf32, #tpu.memory_space<vmem>>, vector<1x1000x1xf32>
    %get3A_3 = vector.shape_cast %get3A_2 : vector<1x1000x1xf32> to vector<1000x1xf32>
    %get3A_4 = arith.constant 1 : index
    %get3A_5 = arith.constant 0 : index
    %get3A_6 = arith.constant 0 : index
    %get3A_7 = vector.load %arg2[%get3A_4, %get3A_5, %get3A_6] : memref<2x1000x16xf32, #tpu.memory_space<vmem>>, vector<1x1000x1xf32>
    %get3A_8 = vector.shape_cast %get3A_7 : vector<1x1000x1xf32> to vector<1000x1xf32>
    %add3A = arith.constant 1.000000e+00 : f32
    %add3A_9 = vector.broadcast %add3A : f32 to vector<1000x1xf32>
    %add3A_10 = arith.addf %add3A_9, %get3A_3 : vector<1000x1xf32>
    %add3A_11 = arith.addf %add3A_10, %get3A_8 : vector<1000x1xf32>
    %rsqrt3A = math.rsqrt %add3A_11 : vector<1000x1xf32>
    %get3A_12 = arith.constant 0 : index
    %get3A_13 = arith.constant 0 : index
    %get3A_14 = arith.constant 0 : index
    %get3A_15 = vector.load %arg1[%get3A_12, %get3A_13, %get3A_14] : memref<2x1000x16xf32, #tpu.memory_space<vmem>>, vector<1x1000x16xf32>
    %get3A_16 = vector.shape_cast %get3A_15 : vector<1x1000x16xf32> to vector<1000x16xf32>
    %get3A_17 = arith.constant 1 : index
    %get3A_18 = arith.constant 0 : index
    %get3A_19 = arith.constant 0 : index
    %get3A_20 = vector.load %arg1[%get3A_17, %get3A_18, %get3A_19] : memref<2x1000x16xf32, #tpu.memory_space<vmem>>, vector<1x1000x16xf32>
    %get3A_21 = vector.shape_cast %get3A_20 : vector<1x1000x16xf32> to vector<1000x16xf32>
    %add3A_22 = arith.addf %get3A_16, %get3A_21 : vector<1000x16xf32>
    %mul3A = vector.broadcast %rsqrt3A : vector<1000x1xf32> to vector<1000x16xf32>
    %mul3A_23 = arith.mulf %add3A_22, %mul3A : vector<1000x16xf32>
    %get3A_24 = arith.constant 0 : index
    %get3A_25 = vector.load %arg3[%get3A_24] : memref<16xf32, #tpu.memory_space<vmem>>, vector<16xf32>
    %broadcast_in_dim3A = vector.shape_cast %get3A_25 : vector<16xf32> to vector<1x16xf32>
    %add3A_26 = vector.broadcast %broadcast_in_dim3A : vector<1x16xf32> to vector<1000x16xf32>
    %add3A_27 = arith.addf %mul3A_23, %add3A_26 : vector<1000x16xf32>
    %swap3A = arith.constant 0 : index
    %swap3A_28 = arith.constant 0 : index
    %swap3A_29 = vector.load %arg4[%swap3A, %swap3A_28] : memref<1000x16xf32, #tpu.memory_space<vmem>>, vector<1000x16xf32>
    tpu.vector_store %arg4[%swap3A, %swap3A_28], %add3A_27 {strides = array<i32>} : memref<1000x16xf32, #tpu.memory_space<vmem>>, vector<1000x16xf32>,
    return
  }
  func.func @transform_0(%arg0: i32) -> (i32, i32, i32) {
    %c0_i32 = arith.constant 0 : i32
    %c0_i32_0 = arith.constant 0 : i32
    %c0_i32_1 = arith.constant 0 : i32
    return %c0_i32, %arg0, %c0_i32_0 : i32, i32, i32
  }
  func.func @transform_1(%arg0: i32) -> (i32, i32, i32) {
    %c0_i32 = arith.constant 0 : i32
    %c0_i32_0 = arith.constant 0 : i32
    %c0_i32_1 = arith.constant 0 : i32
    return %c0_i32, %arg0, %c0_i32_0 : i32, i32, i32
  }
  func.func @transform_2(%arg0: i32) -> i32 {
    %c0_i32 = arith.constant 0 : i32
    %c0_i32_0 = arith.constant 0 : i32
    return %c0_i32 : i32
  }
  func.func @transform_3(%arg0: i32) -> (i32, i32) {
    %c0_i32 = arith.constant 0 : i32
    %c0_i32_0 = arith.constant 0 : i32
    return %arg0, %c0_i32 : i32, i32
  }
}

</mosaic_0001>

<sc_bundles>
// kernel: kernel.11.cloned.1.call-start
scs
__scs_entry_jumppad:
0x0: {  	(pc) =	sbr.rel $0x88, $3  }
0x1: {  	(tag) =	ssettag $0x0;
	lr =	simm.s32 $0x1  }
0x2: {  	[smem:$0x3F9B] =	sst lr;
	_ =	strace $0xD0000000  }
0x3: {  	_ = 	snop  }
0x4: {  	_ = 	snop  }
0x5: {  	_ = 	snop  }
0x6: {  	_ = 	snop  }
0x7: {  	_ = 	snop  }
__scs_overlays_trampoline_lowered:
0x8: {  	[smem:$0x3FAA] =	sst s0  }
0x9: {  	[smem:$0x3FAB] =	sst s1  }
0xa: {  	[smem:$0x3FAC] =	sst s2  }
0xb: {  	[smem:$0x3FAD] =	sst s3  }
0xc: {  	[smem:$0x3FAE] =	sst s4  }
0xd: {  	[smem:$0x3FAF] =	sst s5  }
0xe: {  	[smem:$0x3FB0] =	sst s6  }
0xf: {  	[smem:$0x3FB1] =	sst s7  }
0x10: {  	[smem:$0x3FB2] =	sst s8  }
0x11: {  	[smem:$0x3FB3] =	sst s9;
	s0 =	simm.s32 @!p0 $0x0  }
0x12: {  	s1 =	sld [smem:$0x3F99];
	s0 =	simm.s32 @p0 $0x1  }
0x13: {  	[smem:$0x3FB4] =	sst s0;
	s0 =	simm.s32 @!p1 $0x0  }
0x14: {  	s2 =	sld [smem:$0x3F98];
	s0 =	simm.s32 @p1 $0x1  }
0x15: {  	[smem:$0x3FB5] =	sst s0;
	s0 =	simm.s32 @!p2 $0x0  }
0x16: {  	s3 =	sld [smem:$0x3FDB];
	s0 =	simm.s32 @p2 $0x1  }
0x17: {  	s4 =	simm.s32 $0x1BF5;
	[smem:$0x3FB7] =	sst s0  }
0x18: {  	s0 =	sld [smem:$0x3F9A];
	_ =	swait.ge [sflag:s4], $0x0  }
0x19: {  	s7 =	sld [smem:$0x3F9B]  }
0x1a: {  	s8 =	sadd.s32 $0xFFFFE003, lr  }
0x1b: {  	s9 =	sadd.s32 $0xFFFFFEF7, lr;
	s5 =	simm.s32 $0xFFFFFFFF;
	p2 =	slt.u32 s8, $0xFFFFF086  }
0x1c: {  	p1 =	slt.u32 s9, $0xF7A;
	s5 =	simm.s32 @!p2 $0x0  }
0x1d: {  	s5 =	simm.s32 @p1 $0x1;
	p0 =	seq.s32 s7, s2  }
0x1e: {  	s7 =	smul.u32 @!p0 $0xF7A, s2;
	p2 =	seq.s32 @!p0 s5, $0x0  }
0x1f: {  	s9 =	smul.u32 $0xF7A, s1;
	s8 =	simm.s32 @!p0 $0x1BF5;
	p2 =	por !p2, p0  }
0x20: {  	[sflag:s8] =	ssyncset.s32 @!p0 $0xFFFFF086;
	s6 =	sadd.s32 @!p0 s3, s7;
	s7 =	simm.s32 @!p0 $0x108  }
0x21: {  	s3 =	sadd.s32 s3, s9;
	s6 =	sadd.s32 @!p0 $0x88, s6;
	s7 =	simm.s32 @p2 $0x1082  }
0x22: {  	[simem:s7], [sflag:s8] =	dma.local @!p0 [hbm:s6], $0xF7A  }
0x23: {  	s9 =	sor.u32 $0xD0000000, s2;
	s6 =	simm.s32 $0x108;
	_ =	swait.ge @!p0 [sflag:s8], $0x0  }
0x24: {  	s3 =	sadd.s32 $0x88, s3;
	s6 =	simm.s32 @!p1 $0x1082;
	[sflag:s4] =	ssyncset.s32 $0xFFFFF086  }
0x25: {  	[simem:s6], [sflag:s4] =	dma.local [hbm:s3], $0xF7A  }
0x26: {  	[smem:$0x3F9B] =	sst s1;
	(tag) =	ssettag s2;
	_ =	strace s9  }
0x27: {  	s1 =	sld [smem:$0x3FAB]  }
0x28: {  	s2 =	sld [smem:$0x3FAC]  }
0x29: {  	s4 =	sld [smem:$0x3FAE]  }
0x2a: {  	p0 =	seq.s32 s5, $0x0;
	s5 =	sld [smem:$0x3FAF]  }
0x2b: {  	s6 =	sld [smem:$0x3FB0]  }
0x2c: {  	s7 =	sld [smem:$0x3FB1]  }
0x2d: {  	s3 =	simm.s32 $0x108;
	s8 =	sld [smem:$0x3FB2]  }
0x2e: {  	s3 =	simm.s32 @!p0 $0x1082;
	s9 =	sld [smem:$0x3FB3]  }
0x2f: {  	lr =	sadd.s32 s0, s3;
	s0 =	sld [smem:$0x3FAA]  }
0x30: {  	s3 =	sld [smem:$0x3FAD]  }
0x31: {  	[smem:$0x3FB6] =	sst s10  }
0x32: {  	s10 =	sld [smem:$0x3FB4];
	_ =	sdelay $0x3  }
0x33: {  	p0 =	seq.s32 s10, $0x1;
	s10 =	sld [smem:$0x3FB6];
	_ =	sdelay $0x3  }
0x34: {  	[smem:$0x3FB6] =	sst s10  }
0x35: {  	s10 =	sld [smem:$0x3FB5];
	_ =	sdelay $0x3  }
0x36: {  	p1 =	seq.s32 s10, $0x1;
	s10 =	sld [smem:$0x3FB6];
	_ =	sdelay $0x3  }
0x37: {  	[smem:$0x3FB6] =	sst s10  }
0x38: {  	s10 =	sld [smem:$0x3FB7]  }
0x39: {  	_ = 	snop;
	(pc) =	sbr.ind lr, $3  }
0x3a: {  	_ = 	snop  }
0x3b: {  	_ = 	snop  }
0x3c: {  	p2 =	seq.s32 s10, $0x1;
	s10 =	sld [smem:$0x3FB6]  }
0x3d: {  	_ =	shalt  }
0x3e: {  	_ =	shalt  }
0x3f: {  	_ =	shalt  }
0x40: {  	_ =	shalt  }
0x41: {  	_ =	shalt  }
0x42: {  	_ =	shalt  }
0x43: {  	_ =	shalt  }
0x44: {  	_ =	shalt  }
0x45: {  	_ =	shalt  }
0x46: {  	_ =	shalt  }
0x47: {  	_ =	shalt  }
0x48: {  	_ =	shalt  }
0x49: {  	_ =	shalt  }
0x4a: {  	_ =	shalt  }
0x4b: {  	_ =	shalt  }
0x4c: {  	_ =	shalt  }
0x4d: {  	_ =	shalt  }
0x4e: {  	_ =	shalt  }
0x4f: {  	_ =	shalt  }
0x50: {  	_ =	shalt  }
0x51: {  	_ =	shalt  }
0x52: {  	_ =	shalt  }
0x53: {  	_ =	shalt  }
0x54: {  	_ =	shalt  }
0x55: {  	_ =	shalt  }
0x56: {  	_ =	shalt  }
0x57: {  	_ =	shalt  }
0x58: {  	_ =	shalt  }
0x59: {  	_ =	shalt  }
0x5a: {  	_ =	shalt  }
0x5b: {  	_ =	shalt  }
0x5c: {  	_ =	shalt  }
0x5d: {  	_ =	shalt  }
0x5e: {  	_ =	shalt  }
0x5f: {  	_ =	shalt  }
0x60: {  	_ =	shalt  }
0x61: {  	_ =	shalt  }
0x62: {  	_ =	shalt  }
0x63: {  	_ =	shalt  }
0x64: {  	_ =	shalt  }
0x65: {  	_ =	shalt  }
0x66: {  	_ =	shalt  }
0x67: {  	_ =	shalt  }
0x68: {  	_ =	shalt  }
0x69: {  	_ =	shalt  }
0x6a: {  	_ =	shalt  }
0x6b: {  	_ =	shalt  }
0x6c: {  	_ =	shalt  }
0x6d: {  	_ =	shalt  }
0x6e: {  	_ =	shalt  }
0x6f: {  	_ =	shalt  }
0x70: {  	_ =	shalt  }
0x71: {  	_ =	shalt  }
0x72: {  	_ =	shalt  }
0x73: {  	_ =	shalt  }
0x74: {  	_ =	shalt  }
0x75: {  	_ =	shalt  }
0x76: {  	_ =	shalt  }
0x77: {  	_ =	shalt  }
0x78: {  	_ =	shalt  }
0x79: {  	_ =	shalt  }
0x7a: {  	_ =	shalt  }
0x7b: {  	_ =	shalt  }
0x7c: {  	_ =	shalt  }
0x7d: {  	_ =	shalt  }
0x7e: {  	_ =	shalt  }
0x7f: {  	_ =	shalt  }
0x80: {  	_ =	shalt  }
0x81: {  	_ =	shalt  }
0x82: {  	_ =	shalt  }
0x83: {  	_ =	shalt  }
0x84: {  	_ =	shalt  }
0x85: {  	_ =	shalt  }
0x86: {  	_ =	shalt  }
0x87: {  	_ =	shalt  }
.Lfunc_end0:
.L_simem_size_0:
called_computation.1_lowered:
.L_overlay_start_0:
0x88: {  	s2 =	sld [smem:$0x3FD9]  }
0x89: {  	s3 =	sld [smem:$0x3FFE];
	_ =	sdelay $0x1  }
0x8a: {  	s1 =	srdreg.scid  }
0x8b: {  	s0 =	sand.u32 $0x1, s1  }
0x8c: {  	s16 =	sshll.u32 s0, $0xA;
	s2 =	sadd.s32 s3, s2  }
0x8d: {  	s2 =	sadd.s32 s2, s16  }
0x8e: {  	[smem:$0x3FC2] =	sst s2  }
0x8f: {  	_ = 	snop  }
0x90: {  	(tm) =	ssettm $0x1  }
0x91: {  	s17 =	sld [smem:$0x3FFB];
	_ =	sdelay $0x3  }
0x92: {  	_ =	strace s17  }
0x93: {  	s2 =	sld [smem:$0x3FFC];
	_ =	sdelay $0x3  }
0x94: {  	_ =	strace s2  }
0x95: {  	s2 =	sld [smem:$0x3FFD];
	_ =	sdelay $0x3  }
0x96: {  	_ =	strace s2  }
0x97: {  	_ =	strace $0x8FFFFFFF  }
0x98: {  	s18 =	sld [smem:$0x3FDB];
	_ =	sdelay $0x1  }
0x99: {  	s19 =	simm.s32 $_scs_section_size  }
0x9a: {  	s4 =	simm.s32 $_size__tile_overlayer_lowered;
	s5 =	simm.s32 $_tile_overlayer_lowered  }
0x9b: {  	s22 =	simm.s32 $0x1BFF;
	s21 =	sshll.u32 s5, $0x1;
	s2 =	sadd.s32 s19, s18  }
0x9c: {  	s6 =	simm.s32 $0x0;
	s20 =	sshll.u32 s4, $0x1;
	s4 =	sadd.s32 s21, s2  }
0x9d: {  	[timem:s6], [sflag:s22] =	dma.local [hbm:s4], s20  }
0x9e: {  	_ =	swait.ge [sflag:s22], s20  }
0x9f: {  	s3 =	ssub.s32 $0x0, s20;
	[sflag:s22] =	ssyncset.done $0x0  }
0xa0: {  	[sflag:s22] =	ssyncadd.s32 s3;
	_ =	sdelay $0x1  }
0xa1: {  	s23 =	simm.s32 $0x1B8B  }
0xa2: {  	_ =	swait.ge [sflag:s23], $0x1  }
0xa3: {  	[sflag:s23] =	ssyncset.done $0x0  }
0xa4: {  	s25 =	simm.s32 $0x1B8E;
	s24 =	sld [smem:$0x3FFE];
	[sflag:s23] =	ssyncadd.s32 $0xFFFFFFFF  }
0xa5: {  	s26 =	simm.s32 $execute0_lowered;
	[smem:$0x3FD2] =	sst s25  }
0xa6: {  	s4 =	sshll.u32 s26, $0x1;
	_ =	strace $0x80000049;
	[dreg:$0x1] =	wrdreg $0xFFFFFFFF  }
0xa7: {  	s28 =	simm.s32 $_size_execute0_lowered;
	s2 =	sadd.s32 s2, s4;
	[dreg:$0x0] =	wrdreg $0x0  }
0xa8: {  	s4 =	sshll.u32 s28, $0x1;
	[dreg:$0x2] =	wrdreg s2  }
0xa9: {  	[dreg:$0x3] =	wrdreg s4  }
0xaa: {  	[dreg:$0x4] =	wrdreg $0xC0  }
0xab: {  	_ =	task [dreg:s6], $0x5FFFF  }
0xac: {  	[dreg:$0x1] =	wrdreg $0xFFFFFFFF  }
0xad: {  	[dreg:$0x0] =	wrdreg $0x60  }
0xae: {  	[dreg:$0x2] =	wrdreg s24  }
0xaf: {  	[dreg:$0x3] =	wrdreg $0x90000  }
0xb0: {  	[dreg:$0x4] =	wrdreg $0x12C400  }
0xb1: {  	[dreg:$0x5] =	wrdreg $0x9  }
0xb2: {  	_ =	task.clear_ibuf [dreg:s6], $0x6FFFF;
	_ =	strace $0x90000049  }
0xb3: {  	s29 =	simm.s32 $0x9;
	_ =	strace $0x8000004B  }
0xb4: {  	_ =	swait.ge [sflag:s29], $0x1  }
0xb5: {  	[sflag:s29] =	ssyncadd.s32 $0xFFFFFFFF  }
0xb6: {  	_ =	strace $0x9000004B  }
0xb7: {  	_ =	sfence  }
0xb8: {  	s30 =	sld [smem:$0x0];
	_ =	sdelay $0x2  }
0xb9: {  	s31 =	sshll.u32 s1, $0xD;
	s1 =	sshrl.u32 s1, $0x2  }
0xba: {  	s3 =	sand.u32 $0x4000, s31;
	s1 =	sadd.s32 s1, s30  }
0xbb: {  	s0 =	sor.u32 s3, s0;
	s1 =	sshll.u32 s1, $0x11  }
0xbc: {  	s0 =	sor.u32 s1, s0  }
0xbd: {  	s0 =	sadd.s32 $0x8F2B, s0  }
0xbe: {  	[sflag:s0] =	ssyncadd.remote.s32 $0x1  }
0xbf: {  	_ =	sfence.sel $0xFFFF  }
0xc0: {  	[dreg:$0x0] =	wrdreg $0xFFFFFFFF;
	(pc) =	sbr.abs _section_cstart, $3  }
0xc1: {  	[dreg:$0x1] =	wrdreg $0xFFFFFFFF  }
0xc2: {  	_ =	task.clear_ibuf [dreg:s6], $0x2FFFF;
	_ =	strace $0x9FFFFFFF  }
0xc3: {  	(tm) =	ssettm $0x7FFFFFFF  }
tec
execute0_lowered:
.L_overlay_start_1:
0x0: {  	(tag) =	ssettag $0x1  }
0x1: {  	s5 =	rddreg [dreg:$0x0]  }
0x2: {  	s1 =	rddreg [dreg:$0x1]  }
0x3: {  	s2 =	rddreg [dreg:$0x2];
	s3 =	srdreg.scid  }
0x4: {  	s0 =	rddreg [dreg:$0x3];
	s4 =	simm.s32 $0x0;
	s19 =	simm.s32 $0x5000  }
0x5: {  	s20 =	simm.s32 $0x7000;
	s21 =	simm.s32 $0x1;
	s22 =	simm.s32 $0x2  }
0x6: {  	s23 =	simm.s32 $0x4F00;
	s6 =	sand.u32 $0x1, s3;
	s3 =	stileid.u32  }
0x7: {  	s24 =	simm.s32 $0x4F80;
	[smem:$0x7FF] =	sst s4;
	s7 =	smul.u32 $0xA0000, s6  }
0x8: {  	s9 =	sadd.s32 $0x6F400, s5;
	s10 =	sadd.s32 $0x15400, s5;
	s8 =	smul.u32 $0xA000, s3  }
0x9: {  	s13 =	sadd.s32 $0x1400, s5;
	_ =	strace $0x8000004A;
	s12 =	smul.u32 $0x9C40, s3  }
0xa: {  	s6 =	ssub.s32 $0x2, s6;
	s28 =	smul.u32 $0x5000, s3;
	s29 =	sshll.u32 s3, $0x6  }
0xb: {  	s30 =	smul.u32 $0xA00, s3;
	s25 =	sshrl.u32 s6, $0x1;
	s11 =	sadd.s32 s8, s7  }
0xc: {  	s7 =	sadd.s32 s12, s7;
	s15 =	ssub.s32 s6, s25;
	s16 =	sadd.s32 s12, s1  }
0xd: {  	s6 =	sor.u32 $0x1C03, s29;
	s17 =	sshrl.u32 s28, $0x3;
	s18 =	sadd.s32 s8, s2  }
0xe: {  	s8 =	sadd.s32 s10, s30;
	s25 =	simm.s32 $0x0;
	s11 =	sshrl.u32 s11, $0x3  }
0xf: {  	s26 =	sshrl.u32 s7, $0x3;
	s31 =	sadd.s32 $0x500, s17;
	s17 =	simm.s32 $0x2800  }
0x10: {  	s14 =	sadd.s32 s11, s5;
	s5 =	sadd.s32 s9, s26;
	s7 =	sadd.s32 s9, s11  }
0x11: {  	s9 =	sadd.s32 s13, s30;
	s10 =	sadd.s32 s10, s31;
	s11 =	sadd.s32 s13, s31  }
0x12: {  	s13 =	smax.u32 s15, $0x1;
	s15 =	simm.s32 $0x3;
	s12 =	sadd.s32 $0x97400, s14  }
0x13: {  	s14 =	sshrl.u32 s16, $0x3;
	s16 =	sshrl.u32 s18, $0x3;
	s18 =	simm.s32 $0x80  }
.LBB2_1:
0x14: {  	[spmem:s14], [sflag:s6] =	dma.local [hbm:s5], $0x1388  }
0x15: {  	_ =	swait.ge [sflag:s15], $0x1388  }
0x16: {  	[sflag:s15] =	ssyncset.done $0x0  }
0x17: {  	[sflag:s15] =	ssyncadd.s32 $0xFFFFEC78  }
0x18: {  	[spmem:s16], [sflag:s6] =	dma.local [hbm:s7], $0x1400  }
0x19: {  	_ =	swait.ge [sflag:s15], $0x1400  }
0x1a: {  	[sflag:s15] =	ssyncset.done $0x0  }
0x1b: {  	[sflag:s15] =	ssyncadd.s32 $0xFFFFEC00  }
0x1c: {  	[bflag:$0x0] =	sbarrier.arrive $0xFFFF  }
0x1d: {  	[tilespmem:s4], [sflag:$0x3] =	stream.linear.gather [hbm4b:s8+s4], $0x2800, $0x38;
	[tilespmem:$0x1CC40] =	vst v63  }
0x1e: {  	_ =	swait.ge [sflag:s15], $0x2800  }
0x1f: {  	[sflag:s15] =	ssyncset.done $0x0  }
0x20: {  	[sflag:s15] =	ssyncadd.s32 $0xFFFFD800  }
0x21: {  	[tilespmem:s17], [sflag:$0x3] =	stream.linear.gather [hbm4b:s9+s4], $0x2800, $0x38;
	[tilespmem:$0x1CC40] =	vst v63  }
0x22: {  	_ =	swait.ge [sflag:s15], $0x2800  }
0x23: {  	[sflag:s15] =	ssyncset.done $0x0  }
0x24: {  	[sflag:s15] =	ssyncadd.s32 $0xFFFFD800  }
0x25: {  	[tilespmem:s19], [sflag:$0x1] =	stream.indirect.gather [spmem:s1], $0x40, s4, s18, $0xb8;
	[tilespmem:$0x1CC40] =	vst v63  }
0x26: {  	_ = 	snop  }
0x27: {  	[tilespmem:s20], [sflag:$0x2] =	stream.indirect.gather [spmem:s1], $0x40, s18, s18, $0xb8;
	[tilespmem:$0x1CC40] =	vst v63  }
0x28: {  	_ =	swait.ge [sflag:s21], $0x2000  }
0x29: {  	[sflag:s21] =	ssyncset.done $0x0  }
0x2a: {  	s26 =	simm.s32 $0x2800;
	[sflag:s21] =	ssyncadd.s32 $0xFFFFE000  }
0x2b: {  	[spmem:s2] =	stream.indirect.scatter.add.f32 [tilespmem:s19], [sflag:$0x3], $0x40, s26, s18, $0xb8;
	[tilespmem:$0x1CC40] =	vst v63  }
0x2c: {  	_ =	swait.ge [sflag:s15], $0x2000  }
0x2d: {  	[sflag:s15] =	ssyncset.done $0x0  }
0x2e: {  	s30 =	simm.s32 $0x100;
	[sflag:s15] =	ssyncadd.s32 $0xFFFFE000  }
0x2f: {  	[tilespmem:s19], [sflag:$0x1] =	stream.indirect.gather [spmem:s1], $0x40, s30, s18, $0xb8;
	[tilespmem:$0x1CC40] =	vst v63  }
0x30: {  	_ =	swait.ge [sflag:s22], $0x2000  }
0x31: {  	[sflag:s22] =	ssyncset.done $0x0  }
0x32: {  	s31 =	simm.s32 $0x2880;
	[sflag:s22] =	ssyncadd.s32 $0xFFFFE000  }
0x33: {  	[spmem:s2] =	stream.indirect.scatter.add.f32 [tilespmem:s20], [sflag:$0x3], $0x40, s31, s18, $0xb8;
	[tilespmem:$0x1CC40] =	vst v63  }
0x34: {  	_ =	swait.ge [sflag:s15], $0x2000  }
0x35: {  	[sflag:s15] =	ssyncset.done $0x0  }
0x36: {  	s28 =	simm.s32 $0x180;
	s26 =	simm.s32 $0x400;
	[sflag:s15] =	ssyncadd.s32 $0xFFFFE000  }
.LBB2_2:
0x37: {  	[tilespmem:s20], [sflag:$0x2] =	stream.indirect.gather [spmem:s1], $0x40, s28, s18, $0xb8;
	[tilespmem:$0x1CC40] =	vst v63  }
0x38: {  	s28 =	smov.u32 s26  }
0x39: {  	p0 =	sne.s32 s26, $0x9800;
	s26 =	sadd.s32 $0x400, s26;
	_ =	swait.ge [sflag:s21], $0x2000  }
0x3a: {  	s28 =	sshra.s32 s28, $0x2;
	[sflag:s21] =	ssyncset.done $0x0  }
0x3b: {  	s29 =	sadd.s32 $0x2800, s28;
	[sflag:s21] =	ssyncadd.s32 $0xFFFFE000  }
0x3c: {  	[spmem:s2] =	stream.indirect.scatter.add.f32 [tilespmem:s19], [sflag:$0x3], $0x40, s29, s18, $0xb8;
	[tilespmem:$0x1CC40] =	vst v63  }
0x3d: {  	_ =	swait.ge [sflag:s15], $0x2000  }
0x3e: {  	[sflag:s15] =	ssyncset.done $0x0  }
0x3f: {  	s29 =	sadd.s32 $0x100, s28;
	[sflag:s15] =	ssyncadd.s32 $0xFFFFE000  }
0x40: {  	[tilespmem:s19], [sflag:$0x1] =	stream.indirect.gather [spmem:s1], $0x40, s29, s18, $0xb8;
	[tilespmem:$0x1CC40] =	vst v63  }
0x41: {  	_ =	swait.ge [sflag:s22], $0x2000  }
0x42: {  	[sflag:s22] =	ssyncset.done $0x0  }
.Ltmp0:
0x43: {  	s29 =	sadd.s32 $0x2880, s28;
	[sflag:s22] =	ssyncadd.s32 $0xFFFFE000;
	(pc) =	sbr.rel @p0 .LBB2_2-.Ltmp0, $4  }
0x44: {  	[spmem:s2] =	stream.indirect.scatter.add.f32 [tilespmem:s20], [sflag:$0x3], $0x40, s29, s18, $0xb8;
	[tilespmem:$0x1CC40] =	vst v63  }
0x45: {  	_ =	swait.ge [sflag:s15], $0x2000  }
0x46: {  	[sflag:s15] =	ssyncset.done $0x0  }
0x47: {  	s28 =	sadd.s32 $0x180, s28;
	[sflag:s15] =	ssyncadd.s32 $0xFFFFE000  }
0x48: {  	[tilespmem:s20], [sflag:$0x2] =	stream.indirect.gather [spmem:s1], $0x40, s28, s18, $0xb8;
	[tilespmem:$0x1CC40] =	vst v63  }
0x49: {  	_ =	swait.ge [sflag:s21], $0x2000  }
0x4a: {  	[sflag:s21] =	ssyncset.done $0x0  }
0x4b: {  	[sflag:s21] =	ssyncadd.s32 $0xFFFFE000  }
0x4c: {  	[spmem:s2] =	stream.indirect.scatter.add.f32 [tilespmem:s19], [sflag:$0x3], $0x40, s23, s18, $0xb8;
	[tilespmem:$0x1CC40] =	vst v63  }
0x4d: {  	_ =	swait.ge [sflag:s15], $0x2000  }
0x4e: {  	[sflag:s15] =	ssyncset.done $0x0  }
0x4f: {  	s26 =	simm.s32 $0x0;
	[sflag:s15] =	ssyncadd.s32 $0xFFFFE000  }
0x50: {  	[tilespmem:s19], [sflag:$0x1] =	stream.indirect.gather [spmem:s1], $0x40, s26, s18, $0xb8;
	[tilespmem:$0x1CC40] =	vst v63  }
0x51: {  	_ =	swait.ge [sflag:s22], $0x2000  }
0x52: {  	[sflag:s22] =	ssyncset.done $0x0  }
0x53: {  	[sflag:s22] =	ssyncadd.s32 $0xFFFFE000  }
0x54: {  	[spmem:s2] =	stream.indirect.scatter.add.f32 [tilespmem:s20], [sflag:$0x3], $0x40, s24, s18, $0xb8;
	[tilespmem:$0x1CC40] =	vst v63  }
0x55: {  	_ =	swait.ge [sflag:s15], $0x2000  }
0x56: {  	[sflag:s15] =	ssyncset.done $0x0  }
0x57: {  	[sflag:s15] =	ssyncadd.s32 $0xFFFFE000  }
0x58: {  	[tilespmem:s20], [sflag:$0x2] =	stream.indirect.gather [spmem:s1], $0x40, s18, s18, $0xb8;
	[tilespmem:$0x1CC40] =	vst v63  }
0x59: {  	_ =	swait.ge [sflag:s21], $0x2000  }
0x5a: {  	[sflag:s21] =	ssyncset.done $0x0  }
0x5b: {  	[sflag:s21] =	ssyncadd.s32 $0xFFFFE000  }
0x5c: {  	_ =	swait.ge [sflag:s22], $0x2000  }
0x5d: {  	[sflag:s22] =	ssyncset.done $0x0  }
0x5e: {  	[sflag:s22] =	ssyncadd.s32 $0xFFFFE000  }
0x5f: {  	[tilespmem:s26], [sflag:$0x3] =	stream.linear.gather [hbm4b:s10+s26], $0x2800, $0x38;
	[tilespmem:$0x1CC40] =	vst v63  }
0x60: {  	_ =	swait.ge [sflag:s15], $0x2800  }
0x61: {  	[sflag:s15] =	ssyncset.done $0x0  }
0x62: {  	[sflag:s15] =	ssyncadd.s32 $0xFFFFD800  }
0x63: {  	[tilespmem:s17], [sflag:$0x3] =	stream.linear.gather [hbm4b:s11+s26], $0x2800, $0x38;
	[tilespmem:$0x1CC40] =	vst v63  }
0x64: {  	_ =	swait.ge [sflag:s15], $0x2800  }
0x65: {  	[sflag:s15] =	ssyncset.done $0x0  }
0x66: {  	[sflag:s15] =	ssyncadd.s32 $0xFFFFD800  }
0x67: {  	[tilespmem:s19], [sflag:$0x1] =	stream.indirect.gather [spmem:s1], $0x40, s26, s18, $0xb8;
	[tilespmem:$0x1CC40] =	vst v63  }
0x68: {  	_ = 	snop  }
0x69: {  	[tilespmem:s20], [sflag:$0x2] =	stream.indirect.gather [spmem:s1], $0x40, s18, s18, $0xb8;
	[tilespmem:$0x1CC40] =	vst v63  }
0x6a: {  	_ =	swait.ge [sflag:s21], $0x2000  }
0x6b: {  	[sflag:s21] =	ssyncset.done $0x0  }
0x6c: {  	s29 =	simm.s32 $0x2800;
	[sflag:s21] =	ssyncadd.s32 $0xFFFFE000  }
0x6d: {  	[spmem:s2] =	stream.indirect.scatter.add.f32 [tilespmem:s19], [sflag:$0x3], $0x40, s29, s18, $0xb8;
	[tilespmem:$0x1CC40] =	vst v63  }
0x6e: {  	_ =	swait.ge [sflag:s15], $0x2000  }
0x6f: {  	[sflag:s15] =	ssyncset.done $0x0  }
0x70: {  	s30 =	simm.s32 $0x100;
	[sflag:s15] =	ssyncadd.s32 $0xFFFFE000  }
0x71: {  	[tilespmem:s19], [sflag:$0x1] =	stream.indirect.gather [spmem:s1], $0x40, s30, s18, $0xb8;
	[tilespmem:$0x1CC40] =	vst v63  }
0x72: {  	_ =	swait.ge [sflag:s22], $0x2000  }
0x73: {  	[sflag:s22] =	ssyncset.done $0x0  }
0x74: {  	s31 =	simm.s32 $0x2880;
	[sflag:s22] =	ssyncadd.s32 $0xFFFFE000  }
0x75: {  	[spmem:s2] =	stream.indirect.scatter.add.f32 [tilespmem:s20], [sflag:$0x3], $0x40, s31, s18, $0xb8;
	[tilespmem:$0x1CC40] =	vst v63  }
0x76: {  	_ =	swait.ge [sflag:s15], $0x2000  }
0x77: {  	[sflag:s15] =	ssyncset.done $0x0  }
0x78: {  	s28 =	simm.s32 $0x180;
	s26 =	simm.s32 $0x400;
	[sflag:s15] =	ssyncadd.s32 $0xFFFFE000  }
.LBB2_4:
0x79: {  	[tilespmem:s20], [sflag:$0x2] =	stream.indirect.gather [spmem:s1], $0x40, s28, s18, $0xb8;
	[tilespmem:$0x1CC40] =	vst v63  }
0x7a: {  	s28 =	smov.u32 s26  }
0x7b: {  	p0 =	sne.s32 s26, $0x9800;
	s26 =	sadd.s32 $0x400, s26;
	_ =	swait.ge [sflag:s21], $0x2000  }
0x7c: {  	s28 =	sshra.s32 s28, $0x2;
	[sflag:s21] =	ssyncset.done $0x0  }
0x7d: {  	s29 =	sadd.s32 $0x2800, s28;
	[sflag:s21] =	ssyncadd.s32 $0xFFFFE000  }
0x7e: {  	[spmem:s2] =	stream.indirect.scatter.add.f32 [tilespmem:s19], [sflag:$0x3], $0x40, s29, s18, $0xb8;
	[tilespmem:$0x1CC40] =	vst v63  }
0x7f: {  	_ =	swait.ge [sflag:s15], $0x2000  }
0x80: {  	[sflag:s15] =	ssyncset.done $0x0  }
0x81: {  	s29 =	sadd.s32 $0x100, s28;
	[sflag:s15] =	ssyncadd.s32 $0xFFFFE000  }
0x82: {  	[tilespmem:s19], [sflag:$0x1] =	stream.indirect.gather [spmem:s1], $0x40, s29, s18, $0xb8;
	[tilespmem:$0x1CC40] =	vst v63  }
0x83: {  	_ =	swait.ge [sflag:s22], $0x2000  }
0x84: {  	[sflag:s22] =	ssyncset.done $0x0  }
.Ltmp1:
0x85: {  	s29 =	sadd.s32 $0x2880, s28;
	[sflag:s22] =	ssyncadd.s32 $0xFFFFE000;
	(pc) =	sbr.rel @p0 .LBB2_4-.Ltmp1, $4  }
0x86: {  	[spmem:s2] =	stream.indirect.scatter.add.f32 [tilespmem:s20], [sflag:$0x3], $0x40, s29, s18, $0xb8;
	[tilespmem:$0x1CC40] =	vst v63  }
0x87: {  	_ =	swait.ge [sflag:s15], $0x2000  }
0x88: {  	[sflag:s15] =	ssyncset.done $0x0  }
0x89: {  	s28 =	sadd.s32 $0x180, s28;
	[sflag:s15] =	ssyncadd.s32 $0xFFFFE000  }
0x8a: {  	[tilespmem:s20], [sflag:$0x2] =	stream.indirect.gather [spmem:s1], $0x40, s28, s18, $0xb8;
	[tilespmem:$0x1CC40] =	vst v63  }
0x8b: {  	_ =	swait.ge [sflag:s21], $0x2000  }
0x8c: {  	[sflag:s21] =	ssyncset.done $0x0  }
0x8d: {  	[sflag:s21] =	ssyncadd.s32 $0xFFFFE000  }
0x8e: {  	[spmem:s2] =	stream.indirect.scatter.add.f32 [tilespmem:s19], [sflag:$0x3], $0x40, s23, s18, $0xb8;
	[tilespmem:$0x1CC40] =	vst v63  }
0x8f: {  	_ =	swait.ge [sflag:s15], $0x2000  }
0x90: {  	[sflag:s15] =	ssyncset.done $0x0  }
0x91: {  	[sflag:s15] =	ssyncadd.s32 $0xFFFFE000  }
0x92: {  	[tilespmem:s19], [sflag:$0x1] =	stream.indirect.gather [spmem:s1], $0x40, s4, s18, $0xb8;
	[tilespmem:$0x1CC40] =	vst v63  }
0x93: {  	_ =	swait.ge [sflag:s22], $0x2000  }
0x94: {  	[sflag:s22] =	ssyncset.done $0x0  }
0x95: {  	[sflag:s22] =	ssyncadd.s32 $0xFFFFE000  }
0x96: {  	[spmem:s2] =	stream.indirect.scatter.add.f32 [tilespmem:s20], [sflag:$0x3], $0x40, s24, s18, $0xb8;
	[tilespmem:$0x1CC40] =	vst v63  }
0x97: {  	_ =	swait.ge [sflag:s15], $0x2000  }
0x98: {  	[sflag:s15] =	ssyncset.done $0x0  }
0x99: {  	[sflag:s15] =	ssyncadd.s32 $0xFFFFE000  }
0x9a: {  	[tilespmem:s20], [sflag:$0x2] =	stream.indirect.gather [spmem:s1], $0x40, s18, s18, $0xb8;
	[tilespmem:$0x1CC40] =	vst v63  }
0x9b: {  	_ =	swait.ge [sflag:s21], $0x2000  }
0x9c: {  	[sflag:s21] =	ssyncset.done $0x0  }
0x9d: {  	[sflag:s21] =	ssyncadd.s32 $0xFFFFE000  }
0x9e: {  	_ =	swait.ge [sflag:s22], $0x2000  }
0x9f: {  	s25 =	sadd.s32 $0x1, s25;
	[sflag:s22] =	ssyncset.done $0x0  }
0xa0: {  	p0 =	sne.s32 s25, s13;
	[sflag:s22] =	ssyncadd.s32 $0xFFFFE000  }
.Ltmp2:
0xa1: {  	[bflag:$0x0] =	sbarrier.arrive $0xFFFF;
	(pc) =	sbr.rel @p0 .LBB2_1-.Ltmp2, $4  }
0xa2: {  	[hbm:s12], [sflag:s6] =	dma.local [spmem:s16], $0x1400  }
0xa3: {  	_ =	swait.ge [sflag:s15], $0x1400  }
0xa4: {  	[sflag:s15] =	ssyncset.done $0x0  }
0xa5: {  	[sflag:s15] =	ssyncadd.s32 $0xFFFFEC00  }
0xa6: {  	_ =	sfence.sel $0x180000  }
0xa7: {  	[bflag:$0x0] =	sbarrier.arrive $0xFFFF  }
0xa8: {  	p0 =	sne.s32 s3, $0x0;
	_ =	strace $0x9000004A  }
0xa9: {  	s0 =	sadd.s32 @!p0 $0x100000, s0;
	[bflag:$0x2] =	sbarrier.arrive $0xFFFF  }
0xaa: {  	[sflag:s0] =	ssyncadd.tile.s32 @!p0 $0x1;
	_ =	shalt  }
.Lfunc_end2:
_tile_overlayer_lowered:
.L_overlay_start_2:
0xab: {  	(tag) =	ssettag $0x2  }
0xac: {  	s0 =	rddreg [dreg:$0x0];
	s2 =	stileid.u32  }
0xad: {  	s1 =	rddreg [dreg:$0x1];
	p0 =	sne.s32 s2, $0x0  }
0xae: {  	s3 =	rddreg [dreg:$0x2];
	[bflag:$0x3] =	sbarrier.arrive $0xFFFF;
	s2 =	simm.s32 @!p0 $0x1C03  }
0xaf: {  	[timem:s3], [sflag:s2] =	dma.local @!p0 [hbm:s0], s1  }
0xb0: {  	s0 =	simm.s32 @!p0 $0x3  }
0xb1: {  	_ =	swait.ge @!p0 [sflag:s0], s1  }
0xb2: {  	s1 =	ssub.s32 @!p0 $0x0, s1;
	[sflag:s0] =	ssyncset.done @!p0 $0x0  }
0xb3: {  	[sflag:s0] =	ssyncadd.s32 @!p0 s1  }
0xb4: {  	[bflag:$0x3] =	sbarrier.arrive $0xFFFF  }
0xb5: {  	_ =	shalt  }

// kernel: kernel.14.cloned.1.call-start
scs
__scs_entry_jumppad:
0x0: {  	(pc) =	sbr.rel $0x88, $3  }
0x1: {  	(tag) =	ssettag $0x0;
	lr =	simm.s32 $0x1  }
0x2: {  	[smem:$0x3F9B] =	sst lr;
	_ =	strace $0xD0000000  }
0x3: {  	_ = 	snop  }
0x4: {  	_ = 	snop  }
0x5: {  	_ = 	snop  }
0x6: {  	_ = 	snop  }
0x7: {  	_ = 	snop  }
__scs_overlays_trampoline_lowered:
0x8: {  	[smem:$0x3FAA] =	sst s0  }
0x9: {  	[smem:$0x3FAB] =	sst s1  }
0xa: {  	[smem:$0x3FAC] =	sst s2  }
0xb: {  	[smem:$0x3FAD] =	sst s3  }
0xc: {  	[smem:$0x3FAE] =	sst s4  }
0xd: {  	[smem:$0x3FAF] =	sst s5  }
0xe: {  	[smem:$0x3FB0] =	sst s6  }
0xf: {  	[smem:$0x3FB1] =	sst s7  }
0x10: {  	[smem:$0x3FB2] =	sst s8  }
0x11: {  	[smem:$0x3FB3] =	sst s9;
	s0 =	simm.s32 @!p0 $0x0  }
0x12: {  	s1 =	sld [smem:$0x3F99];
	s0 =	simm.s32 @p0 $0x1  }
0x13: {  	[smem:$0x3FB4] =	sst s0;
	s0 =	simm.s32 @!p1 $0x0  }
0x14: {  	s2 =	sld [smem:$0x3F98];
	s0 =	simm.s32 @p1 $0x1  }
0x15: {  	[smem:$0x3FB5] =	sst s0;
	s0 =	simm.s32 @!p2 $0x0  }
0x16: {  	s3 =	sld [smem:$0x3FDB];
	s0 =	simm.s32 @p2 $0x1  }
0x17: {  	s4 =	simm.s32 $0x1BF5;
	[smem:$0x3FB7] =	sst s0  }
0x18: {  	s0 =	sld [smem:$0x3F9A];
	_ =	swait.ge [sflag:s4], $0x0  }
0x19: {  	s7 =	sld [smem:$0x3F9B]  }
0x1a: {  	s8 =	sadd.s32 $0xFFFFE003, lr  }
0x1b: {  	s9 =	sadd.s32 $0xFFFFFEF7, lr;
	s5 =	simm.s32 $0xFFFFFFFF;
	p2 =	slt.u32 s8, $0xFFFFF086  }
0x1c: {  	p1 =	slt.u32 s9, $0xF7A;
	s5 =	simm.s32 @!p2 $0x0  }
0x1d: {  	s5 =	simm.s32 @p1 $0x1;
	p0 =	seq.s32 s7, s2  }
0x1e: {  	s7 =	smul.u32 @!p0 $0xF7A, s2;
	p2 =	seq.s32 @!p0 s5, $0x0  }
0x1f: {  	s9 =	smul.u32 $0xF7A, s1;
	s8 =	simm.s32 @!p0 $0x1BF5;
	p2 =	por !p2, p0  }
0x20: {  	[sflag:s8] =	ssyncset.s32 @!p0 $0xFFFFF086;
	s6 =	sadd.s32 @!p0 s3, s7;
	s7 =	simm.s32 @!p0 $0x108  }
0x21: {  	s3 =	sadd.s32 s3, s9;
	s6 =	sadd.s32 @!p0 $0x88, s6;
	s7 =	simm.s32 @p2 $0x1082  }
0x22: {  	[simem:s7], [sflag:s8] =	dma.local @!p0 [hbm:s6], $0xF7A  }
0x23: {  	s9 =	sor.u32 $0xD0000000, s2;
	s6 =	simm.s32 $0x108;
	_ =	swait.ge @!p0 [sflag:s8], $0x0  }
0x24: {  	s3 =	sadd.s32 $0x88, s3;
	s6 =	simm.s32 @!p1 $0x1082;
	[sflag:s4] =	ssyncset.s32 $0xFFFFF086  }
0x25: {  	[simem:s6], [sflag:s4] =	dma.local [hbm:s3], $0xF7A  }
0x26: {  	[smem:$0x3F9B] =	sst s1;
	(tag) =	ssettag s2;
	_ =	strace s9  }
0x27: {  	s1 =	sld [smem:$0x3FAB]  }
0x28: {  	s2 =	sld [smem:$0x3FAC]  }
0x29: {  	s4 =	sld [smem:$0x3FAE]  }
0x2a: {  	p0 =	seq.s32 s5, $0x0;
	s5 =	sld [smem:$0x3FAF]  }
0x2b: {  	s6 =	sld [smem:$0x3FB0]  }
0x2c: {  	s7 =	sld [smem:$0x3FB1]  }
0x2d: {  	s3 =	simm.s32 $0x108;
	s8 =	sld [smem:$0x3FB2]  }
0x2e: {  	s3 =	simm.s32 @!p0 $0x1082;
	s9 =	sld [smem:$0x3FB3]  }
0x2f: {  	lr =	sadd.s32 s0, s3;
	s0 =	sld [smem:$0x3FAA]  }
0x30: {  	s3 =	sld [smem:$0x3FAD]  }
0x31: {  	[smem:$0x3FB6] =	sst s10  }
0x32: {  	s10 =	sld [smem:$0x3FB4];
	_ =	sdelay $0x3  }
0x33: {  	p0 =	seq.s32 s10, $0x1;
	s10 =	sld [smem:$0x3FB6];
	_ =	sdelay $0x3  }
0x34: {  	[smem:$0x3FB6] =	sst s10  }
0x35: {  	s10 =	sld [smem:$0x3FB5];
	_ =	sdelay $0x3  }
0x36: {  	p1 =	seq.s32 s10, $0x1;
	s10 =	sld [smem:$0x3FB6];
	_ =	sdelay $0x3  }
0x37: {  	[smem:$0x3FB6] =	sst s10  }
0x38: {  	s10 =	sld [smem:$0x3FB7]  }
0x39: {  	_ = 	snop;
	(pc) =	sbr.ind lr, $3  }
0x3a: {  	_ = 	snop  }
0x3b: {  	_ = 	snop  }
0x3c: {  	p2 =	seq.s32 s10, $0x1;
	s10 =	sld [smem:$0x3FB6]  }
0x3d: {  	_ =	shalt  }
0x3e: {  	_ =	shalt  }
0x3f: {  	_ =	shalt  }
0x40: {  	_ =	shalt  }
0x41: {  	_ =	shalt  }
0x42: {  	_ =	shalt  }
0x43: {  	_ =	shalt  }
0x44: {  	_ =	shalt  }
0x45: {  	_ =	shalt  }
0x46: {  	_ =	shalt  }
0x47: {  	_ =	shalt  }
0x48: {  	_ =	shalt  }
0x49: {  	_ =	shalt  }
0x4a: {  	_ =	shalt  }
0x4b: {  	_ =	shalt  }
0x4c: {  	_ =	shalt  }
0x4d: {  	_ =	shalt  }
0x4e: {  	_ =	shalt  }
0x4f: {  	_ =	shalt  }
0x50: {  	_ =	shalt  }
0x51: {  	_ =	shalt  }
0x52: {  	_ =	shalt  }
0x53: {  	_ =	shalt  }
0x54: {  	_ =	shalt  }
0x55: {  	_ =	shalt  }
0x56: {  	_ =	shalt  }
0x57: {  	_ =	shalt  }
0x58: {  	_ =	shalt  }
0x59: {  	_ =	shalt  }
0x5a: {  	_ =	shalt  }
0x5b: {  	_ =	shalt  }
0x5c: {  	_ =	shalt  }
0x5d: {  	_ =	shalt  }
0x5e: {  	_ =	shalt  }
0x5f: {  	_ =	shalt  }
0x60: {  	_ =	shalt  }
0x61: {  	_ =	shalt  }
0x62: {  	_ =	shalt  }
0x63: {  	_ =	shalt  }
0x64: {  	_ =	shalt  }
0x65: {  	_ =	shalt  }
0x66: {  	_ =	shalt  }
0x67: {  	_ =	shalt  }
0x68: {  	_ =	shalt  }
0x69: {  	_ =	shalt  }
0x6a: {  	_ =	shalt  }
0x6b: {  	_ =	shalt  }
0x6c: {  	_ =	shalt  }
0x6d: {  	_ =	shalt  }
0x6e: {  	_ =	shalt  }
0x6f: {  	_ =	shalt  }
0x70: {  	_ =	shalt  }
0x71: {  	_ =	shalt  }
0x72: {  	_ =	shalt  }
0x73: {  	_ =	shalt  }
0x74: {  	_ =	shalt  }
0x75: {  	_ =	shalt  }
0x76: {  	_ =	shalt  }
0x77: {  	_ =	shalt  }
0x78: {  	_ =	shalt  }
0x79: {  	_ =	shalt  }
0x7a: {  	_ =	shalt  }
0x7b: {  	_ =	shalt  }
0x7c: {  	_ =	shalt  }
0x7d: {  	_ =	shalt  }
0x7e: {  	_ =	shalt  }
0x7f: {  	_ =	shalt  }
0x80: {  	_ =	shalt  }
0x81: {  	_ =	shalt  }
0x82: {  	_ =	shalt  }
0x83: {  	_ =	shalt  }
0x84: {  	_ =	shalt  }
0x85: {  	_ =	shalt  }
0x86: {  	_ =	shalt  }
0x87: {  	_ =	shalt  }
.Lfunc_end0:
.L_simem_size_0:
called_computation.2_lowered:
.L_overlay_start_0:
0x88: {  	s2 =	sld [smem:$0x3FD9]  }
0x89: {  	s3 =	sld [smem:$0x3FFE];
	_ =	sdelay $0x1  }
0x8a: {  	s1 =	srdreg.scid  }
0x8b: {  	s0 =	sand.u32 $0x1, s1  }
0x8c: {  	s16 =	sshll.u32 s0, $0xA;
	s2 =	sadd.s32 s3, s2  }
0x8d: {  	s2 =	sadd.s32 s2, s16  }
0x8e: {  	[smem:$0x3FC2] =	sst s2  }
0x8f: {  	_ = 	snop  }
0x90: {  	(tm) =	ssettm $0x1  }
0x91: {  	s17 =	sld [smem:$0x3FFB];
	_ =	sdelay $0x3  }
0x92: {  	_ =	strace s17  }
0x93: {  	s2 =	sld [smem:$0x3FFC];
	_ =	sdelay $0x3  }
0x94: {  	_ =	strace s2  }
0x95: {  	s2 =	sld [smem:$0x3FFD];
	_ =	sdelay $0x3  }
0x96: {  	_ =	strace s2  }
0x97: {  	_ =	strace $0x8FFFFFFF  }
0x98: {  	s18 =	sld [smem:$0x3FDB];
	_ =	sdelay $0x1  }
0x99: {  	s19 =	simm.s32 $_scs_section_size  }
0x9a: {  	s4 =	simm.s32 $_size__tile_overlayer_lowered;
	s5 =	simm.s32 $_tile_overlayer_lowered  }
0x9b: {  	s22 =	simm.s32 $0x1BFF;
	s21 =	sshll.u32 s5, $0x1;
	s2 =	sadd.s32 s19, s18  }
0x9c: {  	s6 =	simm.s32 $0x0;
	s20 =	sshll.u32 s4, $0x1;
	s4 =	sadd.s32 s21, s2  }
0x9d: {  	[timem:s6], [sflag:s22] =	dma.local [hbm:s4], s20  }
0x9e: {  	_ =	swait.ge [sflag:s22], s20  }
0x9f: {  	s3 =	ssub.s32 $0x0, s20;
	[sflag:s22] =	ssyncset.done $0x0  }
0xa0: {  	[sflag:s22] =	ssyncadd.s32 s3;
	_ =	sdelay $0x1  }
0xa1: {  	s23 =	simm.s32 $0x1B8B  }
0xa2: {  	_ =	swait.ge [sflag:s23], $0x1  }
0xa3: {  	[sflag:s23] =	ssyncset.done $0x0  }
0xa4: {  	s25 =	simm.s32 $0x1B8E;
	s24 =	sld [smem:$0x3FFE];
	[sflag:s23] =	ssyncadd.s32 $0xFFFFFFFF  }
0xa5: {  	s26 =	simm.s32 $execute0_lowered;
	[smem:$0x3FD2] =	sst s25  }
0xa6: {  	s4 =	sshll.u32 s26, $0x1;
	_ =	strace $0x8000004C;
	[dreg:$0x1] =	wrdreg $0xFFFFFFFF  }
0xa7: {  	s28 =	simm.s32 $_size_execute0_lowered;
	s2 =	sadd.s32 s2, s4;
	[dreg:$0x0] =	wrdreg $0x0  }
0xa8: {  	s4 =	sshll.u32 s28, $0x1;
	[dreg:$0x2] =	wrdreg s2  }
0xa9: {  	[dreg:$0x3] =	wrdreg s4  }
0xaa: {  	[dreg:$0x4] =	wrdreg $0xC0  }
0xab: {  	_ =	task [dreg:s6], $0x5FFFF  }
0xac: {  	[dreg:$0x1] =	wrdreg $0xFFFFFFFF  }
0xad: {  	[dreg:$0x0] =	wrdreg $0x60  }
0xae: {  	[dreg:$0x2] =	wrdreg s24  }
0xaf: {  	[dreg:$0x3] =	wrdreg $0x60000  }
0xb0: {  	[dreg:$0x4] =	wrdreg $0x87100  }
0xb1: {  	[dreg:$0x5] =	wrdreg $0x9  }
0xb2: {  	_ =	task.clear_ibuf [dreg:s6], $0x6FFFF;
	_ =	strace $0x9000004C  }
0xb3: {  	s29 =	simm.s32 $0x9;
	_ =	strace $0x8000004E  }
0xb4: {  	_ =	swait.ge [sflag:s29], $0x1  }
0xb5: {  	[sflag:s29] =	ssyncadd.s32 $0xFFFFFFFF  }
0xb6: {  	_ =	strace $0x9000004E  }
0xb7: {  	_ =	sfence  }
0xb8: {  	s30 =	sld [smem:$0x0];
	_ =	sdelay $0x2  }
0xb9: {  	s31 =	sshll.u32 s1, $0xD;
	s1 =	sshrl.u32 s1, $0x2  }
0xba: {  	s3 =	sand.u32 $0x4000, s31;
	s1 =	sadd.s32 s1, s30  }
0xbb: {  	s0 =	sor.u32 s3, s0;
	s1 =	sshll.u32 s1, $0x11  }
0xbc: {  	s0 =	sor.u32 s1, s0  }
0xbd: {  	s0 =	sadd.s32 $0x8F2B, s0  }
0xbe: {  	[sflag:s0] =	ssyncadd.remote.s32 $0x1  }
0xbf: {  	_ =	sfence.sel $0xFFFF  }
0xc0: {  	[dreg:$0x0] =	wrdreg $0xFFFFFFFF;
	(pc) =	sbr.abs _section_cstart, $3  }
0xc1: {  	[dreg:$0x1] =	wrdreg $0xFFFFFFFF  }
0xc2: {  	_ =	task.clear_ibuf [dreg:s6], $0x2FFFF;
	_ =	strace $0x9FFFFFFF  }
0xc3: {  	(tm) =	ssettm $0x7FFFFFFF  }
tec
execute0_lowered:
.L_overlay_start_1:
0x0: {  	(tag) =	ssettag $0x1  }
0x1: {  	s1 =	srdreg.scid;
	s5 =	rddreg [dreg:$0x0]  }
0x2: {  	s0 =	stileid.u32;
	s2 =	rddreg [dreg:$0x1]  }
0x3: {  	s3 =	rddreg [dreg:$0x2];
	s4 =	simm.s32 $0x0;
	s22 =	simm.s32 $0x5000  }
0x4: {  	s28 =	simm.s32 $0x4F80;
	s29 =	simm.s32 $0x0;
	s14 =	smul.u32 $0x2800, s0  }
0x5: {  	s17 =	sand.u32 $0x1, s1;
	s23 =	sshll.u32 s0, $0x1;
	s8 =	smul.u32 $0x2710, s0  }
0x6: {  	[smem:$0x7FF] =	sst s4;
	s15 =	sadd.s32 $0xB400, s5;
	s11 =	smul.u32 $0xA000, s0  }
0x7: {  	s30 =	sshll.u32 s0, $0x6;
	s1 =	sor.u32 s17, s23;
	s7 =	smul.u32 $0x28000, s17  }
0x8: {  	_ =	strace $0x8000004D;
	s25 =	ssub.s32 $0x2, s17;
	p0 =	sne.s32 s17, $0x0  }
0x9: {  	s23 =	simm.s32 $0x5800;
	s6 =	smul.u32 $0x500, s1;
	s10 =	sshrl.u32 s25, $0x1  }
0xa: {  	s19 =	sadd.s32 s8, s2;
	s26 =	sshrl.u32 s8, $0x3;
	s31 =	sshrl.u32 s11, $0x2  }
0xb: {  	s20 =	sshrl.u32 s14, $0x3;
	s21 =	sadd.s32 s14, s3;
	s24 =	sadd.s32 s14, s7  }
0xc: {  	s18 =	ssub.s32 s25, s10;
	s7 =	sadd.s32 s31, s3;
	s14 =	sadd.s32 s15, s20  }
0xd: {  	s17 =	sshrl.u32 s19, $0x3;
	s19 =	simm.s32 $0x2800;
	s20 =	sshrl.u32 s21, $0x3  }
0xe: {  	s21 =	simm.s32 $0x80;
	s25 =	simm.s32 $0x2;
	s9 =	sadd.s32 s6, s5  }
0xf: {  	s6 =	sshrl.u32 s24, $0x3;
	s10 =	sadd.s32 $0x800, s7;
	s11 =	sadd.s32 $0x1000, s7  }
0x10: {  	s12 =	sadd.s32 $0x1800, s7;
	s13 =	sadd.s32 $0x2000, s7;
	s24 =	simm.s32 $0x1  }
0x11: {  	s16 =	sadd.s32 s6, s5;
	s5 =	sadd.s32 s15, s26;
	s6 =	sor.u32 $0x1C03, s30  }
0x12: {  	s8 =	sadd.s32 $0x15400, s9;
	s9 =	sadd.s32 $0x1400, s9;
	s26 =	simm.s32 $0x4F00  }
0x13: {  	v0 =	vimm.f32 $0.0e+00;
	s15 =	sadd.s32 $0x6F400, s16;
	s16 =	smax.u32 s18, $0x1;
	s18 =	simm.s32 $0x3  }
.LBB2_1:
0x14: {  	[spmem:s17], [sflag:s6] =	dma.local [hbm:s5], $0x4E2  }
0x15: {  	_ =	swait.ge [sflag:s18], $0x4E2  }
0x16: {  	[sflag:s18] =	ssyncset.done $0x0  }
0x17: {  	[sflag:s18] =	ssyncadd.s32 $0xFFFFFB1E  }
0x18: {  	[tilespmem:s4], [sflag:$0x3] =	stream.linear.gather [hbm4b:s8+s4], $0x2800, $0x38;
	[tilespmem:$0xAF10] =	vst v63  }
0x19: {  	_ =	swait.ge [sflag:s18], $0x2800  }
0x1a: {  	[sflag:s18] =	ssyncset.done $0x0  }
.Ltmp0:
0x1b: {  	[sflag:s18] =	ssyncadd.s32 $0xFFFFD800;
	(pc) =	sbr.rel @p0 .LBB2_3-.Ltmp0, $4  }
0x1c: {  	[tilespmem:s19], [sflag:$0x3] =	stream.linear.gather [hbm4b:s9+s4], $0x2800, $0x38;
	[tilespmem:$0xAF10] =	vst v63  }
0x1d: {  	_ =	swait.ge [sflag:s18], $0x2800  }
0x1e: {  	[sflag:s18] =	ssyncset.done $0x0  }
0x1f: {  	[sflag:s18] =	ssyncadd.s32 $0xFFFFD800  }
.Ltmp1:
0x20: {  	(pc) =	sbr.rel .LBB2_6-.Ltmp1, $4  }
0x21: {  	[spmem:s20], [sflag:s6] =	dma.local [hbm:s14], $0x500  }
0x22: {  	_ =	swait.ge [sflag:s18], $0x500  }
0x23: {  	[sflag:s18] =	ssyncset.done $0x0  }
0x24: {  	[sflag:s18] =	ssyncadd.s32 $0xFFFFFB00  }
.LBB2_3:
0x25: {  	s30 =	simm.s32 $0x40;
	s31 =	simm.s32 $0x0  }
.LBB2_4:
0x26: {  	p1 =	sne.s32 s30, $0x1FC0;
	[tilespmem:s31+$0x5000] =	vst v0;
	s31 =	smov.u32 s30;
	s30 =	sadd.s32 $0x40, s30  }
.Ltmp2:
0x27: {  	(pc) =	sbr.rel @p1 .LBB2_4-.Ltmp2, $2  }
0x28: {  	_ =	sdelay $0x2  }
0x29: {  	s31 =	sshra.s32 s31, $0x2  }
0x2a: {  	[tilespmem:s31+$0x5000] =	vst v0  }
0x2b: {  	[spmem:s7] =	stream.linear.scatter [tilespmem:s22], [sflag:$0x3], $0x800, $0x38;
	[tilespmem:$0xAF10] =	vst v63  }
0x2c: {  	_ =	swait.ge [sflag:s18], $0x800  }
0x2d: {  	[sflag:s18] =	ssyncset.done $0x0  }
0x2e: {  	[sflag:s18] =	ssyncadd.s32 $0xFFFFF800  }
0x2f: {  	[spmem:s10] =	stream.linear.scatter [tilespmem:s22], [sflag:$0x3], $0x800, $0x38;
	[tilespmem:$0xAF10] =	vst v63  }
0x30: {  	_ =	swait.ge [sflag:s18], $0x800  }
0x31: {  	[sflag:s18] =	ssyncset.done $0x0  }
0x32: {  	[sflag:s18] =	ssyncadd.s32 $0xFFFFF800  }
0x33: {  	[spmem:s11] =	stream.linear.scatter [tilespmem:s22], [sflag:$0x3], $0x800, $0x38;
	[tilespmem:$0xAF10] =	vst v63  }
0x34: {  	_ =	swait.ge [sflag:s18], $0x800  }
0x35: {  	[sflag:s18] =	ssyncset.done $0x0  }
0x36: {  	[sflag:s18] =	ssyncadd.s32 $0xFFFFF800  }
0x37: {  	[spmem:s12] =	stream.linear.scatter [tilespmem:s22], [sflag:$0x3], $0x800, $0x38;
	[tilespmem:$0xAF10] =	vst v63  }
0x38: {  	_ =	swait.ge [sflag:s18], $0x800  }
0x39: {  	[sflag:s18] =	ssyncset.done $0x0  }
0x3a: {  	[sflag:s18] =	ssyncadd.s32 $0xFFFFF800  }
0x3b: {  	[spmem:s13] =	stream.linear.scatter [tilespmem:s22], [sflag:$0x3], $0x800, $0x38;
	[tilespmem:$0xAF10] =	vst v63  }
0x3c: {  	_ =	swait.ge [sflag:s18], $0x800  }
0x3d: {  	[sflag:s18] =	ssyncset.done $0x0  }
0x3e: {  	[sflag:s18] =	ssyncadd.s32 $0xFFFFF800  }
.LBB2_6:
0x3f: {  	[bflag:$0x0] =	sbarrier.arrive $0xFFFF;
	s30 =	simm.s32 $0x0  }
0x40: {  	[tilespmem:s22], [sflag:$0x1] =	stream.indirect.gather [spmem:s2], $0x10, s30, s21, $0xb8;
	[tilespmem:$0xAF10] =	vst v63  }
0x41: {  	_ = 	snop  }
0x42: {  	[tilespmem:s23], [sflag:$0x2] =	stream.indirect.gather [spmem:s2], $0x10, s21, s21, $0xb8;
	[tilespmem:$0xAF10] =	vst v63  }
0x43: {  	_ =	swait.ge [sflag:s24], $0x800  }
0x44: {  	[sflag:s24] =	ssyncset.done $0x0  }
0x45: {  	s30 =	simm.s32 $0x2800;
	[sflag:s24] =	ssyncadd.s32 $0xFFFFF800  }
0x46: {  	[spmem:s3] =	stream.indirect.scatter.add.f32 [tilespmem:s22], [sflag:$0x3], $0x10, s30, s21, $0xb8;
	[tilespmem:$0xAF10] =	vst v63  }
0x47: {  	_ =	swait.ge [sflag:s18], $0x800  }
0x48: {  	[sflag:s18] =	ssyncset.done $0x0  }
0x49: {  	s30 =	simm.s32 $0x100;
	[sflag:s18] =	ssyncadd.s32 $0xFFFFF800  }
0x4a: {  	[tilespmem:s22], [sflag:$0x1] =	stream.indirect.gather [spmem:s2], $0x10, s30, s21, $0xb8;
	[tilespmem:$0xAF10] =	vst v63  }
0x4b: {  	_ =	swait.ge [sflag:s25], $0x800  }
0x4c: {  	[sflag:s25] =	ssyncset.done $0x0  }
0x4d: {  	s30 =	simm.s32 $0x2880;
	[sflag:s25] =	ssyncadd.s32 $0xFFFFF800  }
0x4e: {  	[spmem:s3] =	stream.indirect.scatter.add.f32 [tilespmem:s23], [sflag:$0x3], $0x10, s30, s21, $0xb8;
	[tilespmem:$0xAF10] =	vst v63  }
0x4f: {  	_ =	swait.ge [sflag:s18], $0x800  }
0x50: {  	[sflag:s18] =	ssyncset.done $0x0  }
0x51: {  	s31 =	simm.s32 $0x180;
	s30 =	simm.s32 $0x400;
	[sflag:s18] =	ssyncadd.s32 $0xFFFFF800  }
.LBB2_7:
0x52: {  	[tilespmem:s23], [sflag:$0x2] =	stream.indirect.gather [spmem:s2], $0x10, s31, s21, $0xb8;
	[tilespmem:$0xAF10] =	vst v63  }
0x53: {  	s31 =	smov.u32 s30  }
0x54: {  	p1 =	sne.s32 s30, $0x9800;
	s30 =	sadd.s32 $0x400, s30;
	_ =	swait.ge [sflag:s24], $0x800  }
0x55: {  	s31 =	sshra.s32 s31, $0x2;
	[sflag:s24] =	ssyncset.done $0x0  }
0x56: {  	s1 =	sadd.s32 $0x2800, s31;
	[sflag:s24] =	ssyncadd.s32 $0xFFFFF800  }
0x57: {  	[spmem:s3] =	stream.indirect.scatter.add.f32 [tilespmem:s22], [sflag:$0x3], $0x10, s1, s21, $0xb8;
	[tilespmem:$0xAF10] =	vst v63  }
0x58: {  	_ =	swait.ge [sflag:s18], $0x800  }
0x59: {  	[sflag:s18] =	ssyncset.done $0x0  }
0x5a: {  	s1 =	sadd.s32 $0x100, s31;
	[sflag:s18] =	ssyncadd.s32 $0xFFFFF800  }
0x5b: {  	[tilespmem:s22], [sflag:$0x1] =	stream.indirect.gather [spmem:s2], $0x10, s1, s21, $0xb8;
	[tilespmem:$0xAF10] =	vst v63  }
0x5c: {  	_ =	swait.ge [sflag:s25], $0x800  }
0x5d: {  	[sflag:s25] =	ssyncset.done $0x0  }
.Ltmp3:
0x5e: {  	s1 =	sadd.s32 $0x2880, s31;
	[sflag:s25] =	ssyncadd.s32 $0xFFFFF800;
	(pc) =	sbr.rel @p1 .LBB2_7-.Ltmp3, $4  }
0x5f: {  	[spmem:s3] =	stream.indirect.scatter.add.f32 [tilespmem:s23], [sflag:$0x3], $0x10, s1, s21, $0xb8;
	[tilespmem:$0xAF10] =	vst v63  }
0x60: {  	_ =	swait.ge [sflag:s18], $0x800  }
0x61: {  	[sflag:s18] =	ssyncset.done $0x0  }
0x62: {  	s31 =	sadd.s32 $0x180, s31;
	[sflag:s18] =	ssyncadd.s32 $0xFFFFF800  }
0x63: {  	[tilespmem:s23], [sflag:$0x2] =	stream.indirect.gather [spmem:s2], $0x10, s31, s21, $0xb8;
	[tilespmem:$0xAF10] =	vst v63  }
0x64: {  	_ =	swait.ge [sflag:s24], $0x800  }
0x65: {  	[sflag:s24] =	ssyncset.done $0x0  }
0x66: {  	[sflag:s24] =	ssyncadd.s32 $0xFFFFF800  }
0x67: {  	[spmem:s3] =	stream.indirect.scatter.add.f32 [tilespmem:s22], [sflag:$0x3], $0x10, s26, s21, $0xb8;
	[tilespmem:$0xAF10] =	vst v63  }
0x68: {  	_ =	swait.ge [sflag:s18], $0x800  }
0x69: {  	[sflag:s18] =	ssyncset.done $0x0  }
0x6a: {  	[sflag:s18] =	ssyncadd.s32 $0xFFFFF800  }
0x6b: {  	[tilespmem:s22], [sflag:$0x1] =	stream.indirect.gather [spmem:s2], $0x10, s4, s21, $0xb8;
	[tilespmem:$0xAF10] =	vst v63  }
0x6c: {  	_ =	swait.ge [sflag:s25], $0x800  }
0x6d: {  	[sflag:s25] =	ssyncset.done $0x0  }
0x6e: {  	[sflag:s25] =	ssyncadd.s32 $0xFFFFF800  }
0x6f: {  	[spmem:s3] =	stream.indirect.scatter.add.f32 [tilespmem:s23], [sflag:$0x3], $0x10, s28, s21, $0xb8;
	[tilespmem:$0xAF10] =	vst v63  }
0x70: {  	_ =	swait.ge [sflag:s18], $0x800  }
0x71: {  	[sflag:s18] =	ssyncset.done $0x0  }
0x72: {  	[sflag:s18] =	ssyncadd.s32 $0xFFFFF800  }
0x73: {  	[tilespmem:s23], [sflag:$0x2] =	stream.indirect.gather [spmem:s2], $0x10, s21, s21, $0xb8;
	[tilespmem:$0xAF10] =	vst v63  }
0x74: {  	_ =	swait.ge [sflag:s24], $0x800  }
0x75: {  	[sflag:s24] =	ssyncset.done $0x0  }
0x76: {  	[sflag:s24] =	ssyncadd.s32 $0xFFFFF800  }
0x77: {  	_ =	swait.ge [sflag:s25], $0x800  }
0x78: {  	s29 =	sadd.s32 $0x1, s29;
	[sflag:s25] =	ssyncset.done $0x0  }
0x79: {  	p1 =	sne.s32 s29, s16;
	[sflag:s25] =	ssyncadd.s32 $0xFFFFF800  }
.Ltmp4:
0x7a: {  	[bflag:$0x0] =	sbarrier.arrive $0xFFFF;
	(pc) =	sbr.rel @p1 .LBB2_1-.Ltmp4, $4  }
0x7b: {  	[hbm:s15], [sflag:s6] =	dma.local [spmem:s20], $0x500  }
0x7c: {  	_ =	swait.ge [sflag:s18], $0x500  }
0x7d: {  	[sflag:s18] =	ssyncset.done $0x0  }
0x7e: {  	[sflag:s18] =	ssyncadd.s32 $0xFFFFFB00  }
0x7f: {  	_ =	sfence.sel $0x180000  }
0x80: {  	[bflag:$0x0] =	sbarrier.arrive $0xFFFF  }
0x81: {  	_ =	strace $0x9000004D  }
0x82: {  	[bflag:$0x2] =	sbarrier.arrive $0xFFFF  }
0x83: {  	p0 =	sne.s32 s0, $0x0;
	s0 =	rddreg [dreg:$0x3]  }
0x84: {  	s0 =	sadd.s32 @!p0 $0x100000, s0  }
0x85: {  	[sflag:s0] =	ssyncadd.tile.s32 @!p0 $0x1;
	_ =	shalt  }
.Lfunc_end2:
_tile_overlayer_lowered:
.L_overlay_start_2:
0x86: {  	(tag) =	ssettag $0x2  }
0x87: {  	s0 =	rddreg [dreg:$0x0];
	s2 =	stileid.u32  }
0x88: {  	s1 =	rddreg [dreg:$0x1];
	p0 =	sne.s32 s2, $0x0  }
0x89: {  	s3 =	rddreg [dreg:$0x2];
	[bflag:$0x3] =	sbarrier.arrive $0xFFFF;
	s2 =	simm.s32 @!p0 $0x1C03  }
0x8a: {  	[timem:s3], [sflag:s2] =	dma.local @!p0 [hbm:s0], s1  }
0x8b: {  	s0 =	simm.s32 @!p0 $0x3  }
0x8c: {  	_ =	swait.ge @!p0 [sflag:s0], s1  }
0x8d: {  	s1 =	ssub.s32 @!p0 $0x0, s1;
	[sflag:s0] =	ssyncset.done @!p0 $0x0  }
0x8e: {  	[sflag:s0] =	ssyncadd.s32 @!p0 s1  }
0x8f: {  	[bflag:$0x3] =	sbarrier.arrive $0xFFFF  }
0x90: {  	_ =	shalt  }

// kernel: kernel.8.cloned.1.call-start
scs
__scs_entry_jumppad:
0x0: {  	(pc) =	sbr.rel $0x88, $3  }
0x1: {  	(tag) =	ssettag $0x0;
	lr =	simm.s32 $0x1  }
0x2: {  	[smem:$0x3F9B] =	sst lr;
	_ =	strace $0xD0000000  }
0x3: {  	_ = 	snop  }
0x4: {  	_ = 	snop  }
0x5: {  	_ = 	snop  }
0x6: {  	_ = 	snop  }
0x7: {  	_ = 	snop  }
__scs_overlays_trampoline_lowered:
0x8: {  	[smem:$0x3FAA] =	sst s0  }
0x9: {  	[smem:$0x3FAB] =	sst s1  }
0xa: {  	[smem:$0x3FAC] =	sst s2  }
0xb: {  	[smem:$0x3FAD] =	sst s3  }
0xc: {  	[smem:$0x3FAE] =	sst s4  }
0xd: {  	[smem:$0x3FAF] =	sst s5  }
0xe: {  	[smem:$0x3FB0] =	sst s6  }
0xf: {  	[smem:$0x3FB1] =	sst s7  }
0x10: {  	[smem:$0x3FB2] =	sst s8  }
0x11: {  	[smem:$0x3FB3] =	sst s9;
	s0 =	simm.s32 @!p0 $0x0  }
0x12: {  	s1 =	sld [smem:$0x3F99];
	s0 =	simm.s32 @p0 $0x1  }
0x13: {  	[smem:$0x3FB4] =	sst s0;
	s0 =	simm.s32 @!p1 $0x0  }
0x14: {  	s2 =	sld [smem:$0x3F98];
	s0 =	simm.s32 @p1 $0x1  }
0x15: {  	[smem:$0x3FB5] =	sst s0;
	s0 =	simm.s32 @!p2 $0x0  }
0x16: {  	s3 =	sld [smem:$0x3FDB];
	s0 =	simm.s32 @p2 $0x1  }
0x17: {  	s4 =	simm.s32 $0x1BF5;
	[smem:$0x3FB7] =	sst s0  }
0x18: {  	s0 =	sld [smem:$0x3F9A];
	_ =	swait.ge [sflag:s4], $0x0  }
0x19: {  	s7 =	sld [smem:$0x3F9B]  }
0x1a: {  	s8 =	sadd.s32 $0xFFFFE003, lr  }
0x1b: {  	s9 =	sadd.s32 $0xFFFFFEF7, lr;
	s5 =	simm.s32 $0xFFFFFFFF;
	p2 =	slt.u32 s8, $0xFFFFF086  }
0x1c: {  	p1 =	slt.u32 s9, $0xF7A;
	s5 =	simm.s32 @!p2 $0x0  }
0x1d: {  	s5 =	simm.s32 @p1 $0x1;
	p0 =	seq.s32 s7, s2  }
0x1e: {  	s7 =	smul.u32 @!p0 $0xF7A, s2;
	p2 =	seq.s32 @!p0 s5, $0x0  }
0x1f: {  	s9 =	smul.u32 $0xF7A, s1;
	s8 =	simm.s32 @!p0 $0x1BF5;
	p2 =	por !p2, p0  }
0x20: {  	[sflag:s8] =	ssyncset.s32 @!p0 $0xFFFFF086;
	s6 =	sadd.s32 @!p0 s3, s7;
	s7 =	simm.s32 @!p0 $0x108  }
0x21: {  	s3 =	sadd.s32 s3, s9;
	s6 =	sadd.s32 @!p0 $0x88, s6;
	s7 =	simm.s32 @p2 $0x1082  }
0x22: {  	[simem:s7], [sflag:s8] =	dma.local @!p0 [hbm:s6], $0xF7A  }
0x23: {  	s9 =	sor.u32 $0xD0000000, s2;
	s6 =	simm.s32 $0x108;
	_ =	swait.ge @!p0 [sflag:s8], $0x0  }
0x24: {  	s3 =	sadd.s32 $0x88, s3;
	s6 =	simm.s32 @!p1 $0x1082;
	[sflag:s4] =	ssyncset.s32 $0xFFFFF086  }
0x25: {  	[simem:s6], [sflag:s4] =	dma.local [hbm:s3], $0xF7A  }
0x26: {  	[smem:$0x3F9B] =	sst s1;
	(tag) =	ssettag s2;
	_ =	strace s9  }
0x27: {  	s1 =	sld [smem:$0x3FAB]  }
0x28: {  	s2 =	sld [smem:$0x3FAC]  }
0x29: {  	s4 =	sld [smem:$0x3FAE]  }
0x2a: {  	p0 =	seq.s32 s5, $0x0;
	s5 =	sld [smem:$0x3FAF]  }
0x2b: {  	s6 =	sld [smem:$0x3FB0]  }
0x2c: {  	s7 =	sld [smem:$0x3FB1]  }
0x2d: {  	s3 =	simm.s32 $0x108;
	s8 =	sld [smem:$0x3FB2]  }
0x2e: {  	s3 =	simm.s32 @!p0 $0x1082;
	s9 =	sld [smem:$0x3FB3]  }
0x2f: {  	lr =	sadd.s32 s0, s3;
	s0 =	sld [smem:$0x3FAA]  }
0x30: {  	s3 =	sld [smem:$0x3FAD]  }
0x31: {  	[smem:$0x3FB6] =	sst s10  }
0x32: {  	s10 =	sld [smem:$0x3FB4];
	_ =	sdelay $0x3  }
0x33: {  	p0 =	seq.s32 s10, $0x1;
	s10 =	sld [smem:$0x3FB6];
	_ =	sdelay $0x3  }
0x34: {  	[smem:$0x3FB6] =	sst s10  }
0x35: {  	s10 =	sld [smem:$0x3FB5];
	_ =	sdelay $0x3  }
0x36: {  	p1 =	seq.s32 s10, $0x1;
	s10 =	sld [smem:$0x3FB6];
	_ =	sdelay $0x3  }
0x37: {  	[smem:$0x3FB6] =	sst s10  }
0x38: {  	s10 =	sld [smem:$0x3FB7]  }
0x39: {  	_ = 	snop;
	(pc) =	sbr.ind lr, $3  }
0x3a: {  	_ = 	snop  }
0x3b: {  	_ = 	snop  }
0x3c: {  	p2 =	seq.s32 s10, $0x1;
	s10 =	sld [smem:$0x3FB6]  }
0x3d: {  	_ =	shalt  }
0x3e: {  	_ =	shalt  }
0x3f: {  	_ =	shalt  }
0x40: {  	_ =	shalt  }
0x41: {  	_ =	shalt  }
0x42: {  	_ =	shalt  }
0x43: {  	_ =	shalt  }
0x44: {  	_ =	shalt  }
0x45: {  	_ =	shalt  }
0x46: {  	_ =	shalt  }
0x47: {  	_ =	shalt  }
0x48: {  	_ =	shalt  }
0x49: {  	_ =	shalt  }
0x4a: {  	_ =	shalt  }
0x4b: {  	_ =	shalt  }
0x4c: {  	_ =	shalt  }
0x4d: {  	_ =	shalt  }
0x4e: {  	_ =	shalt  }
0x4f: {  	_ =	shalt  }
0x50: {  	_ =	shalt  }
0x51: {  	_ =	shalt  }
0x52: {  	_ =	shalt  }
0x53: {  	_ =	shalt  }
0x54: {  	_ =	shalt  }
0x55: {  	_ =	shalt  }
0x56: {  	_ =	shalt  }
0x57: {  	_ =	shalt  }
0x58: {  	_ =	shalt  }
0x59: {  	_ =	shalt  }
0x5a: {  	_ =	shalt  }
0x5b: {  	_ =	shalt  }
0x5c: {  	_ =	shalt  }
0x5d: {  	_ =	shalt  }
0x5e: {  	_ =	shalt  }
0x5f: {  	_ =	shalt  }
0x60: {  	_ =	shalt  }
0x61: {  	_ =	shalt  }
0x62: {  	_ =	shalt  }
0x63: {  	_ =	shalt  }
0x64: {  	_ =	shalt  }
0x65: {  	_ =	shalt  }
0x66: {  	_ =	shalt  }
0x67: {  	_ =	shalt  }
0x68: {  	_ =	shalt  }
0x69: {  	_ =	shalt  }
0x6a: {  	_ =	shalt  }
0x6b: {  	_ =	shalt  }
0x6c: {  	_ =	shalt  }
0x6d: {  	_ =	shalt  }
0x6e: {  	_ =	shalt  }
0x6f: {  	_ =	shalt  }
0x70: {  	_ =	shalt  }
0x71: {  	_ =	shalt  }
0x72: {  	_ =	shalt  }
0x73: {  	_ =	shalt  }
0x74: {  	_ =	shalt  }
0x75: {  	_ =	shalt  }
0x76: {  	_ =	shalt  }
0x77: {  	_ =	shalt  }
0x78: {  	_ =	shalt  }
0x79: {  	_ =	shalt  }
0x7a: {  	_ =	shalt  }
0x7b: {  	_ =	shalt  }
0x7c: {  	_ =	shalt  }
0x7d: {  	_ =	shalt  }
0x7e: {  	_ =	shalt  }
0x7f: {  	_ =	shalt  }
0x80: {  	_ =	shalt  }
0x81: {  	_ =	shalt  }
0x82: {  	_ =	shalt  }
0x83: {  	_ =	shalt  }
0x84: {  	_ =	shalt  }
0x85: {  	_ =	shalt  }
0x86: {  	_ =	shalt  }
0x87: {  	_ =	shalt  }
.Lfunc_end0:
.L_simem_size_0:
called_computation_lowered:
.L_overlay_start_0:
0x88: {  	s2 =	sld [smem:$0x3FD9]  }
0x89: {  	s3 =	sld [smem:$0x3FFE];
	_ =	sdelay $0x1  }
0x8a: {  	s1 =	srdreg.scid  }
0x8b: {  	s0 =	sand.u32 $0x1, s1  }
0x8c: {  	s16 =	sshll.u32 s0, $0xA;
	s2 =	sadd.s32 s3, s2  }
0x8d: {  	s2 =	sadd.s32 s2, s16  }
0x8e: {  	[smem:$0x3FC2] =	sst s2  }
0x8f: {  	_ = 	snop  }
0x90: {  	(tm) =	ssettm $0x1  }
0x91: {  	s17 =	sld [smem:$0x3FFB];
	_ =	sdelay $0x3  }
0x92: {  	_ =	strace s17  }
0x93: {  	s2 =	sld [smem:$0x3FFC];
	_ =	sdelay $0x3  }
0x94: {  	_ =	strace s2  }
0x95: {  	s2 =	sld [smem:$0x3FFD];
	_ =	sdelay $0x3  }
0x96: {  	_ =	strace s2  }
0x97: {  	_ =	strace $0x8FFFFFFF  }
0x98: {  	s18 =	sld [smem:$0x3FDB];
	_ =	sdelay $0x1  }
0x99: {  	s19 =	simm.s32 $_scs_section_size  }
0x9a: {  	s4 =	simm.s32 $_size__tile_overlayer_lowered;
	s5 =	simm.s32 $_tile_overlayer_lowered  }
0x9b: {  	s22 =	simm.s32 $0x1BFF;
	s21 =	sshll.u32 s5, $0x1;
	s2 =	sadd.s32 s19, s18  }
0x9c: {  	s6 =	simm.s32 $0x0;
	s20 =	sshll.u32 s4, $0x1;
	s4 =	sadd.s32 s21, s2  }
0x9d: {  	[timem:s6], [sflag:s22] =	dma.local [hbm:s4], s20  }
0x9e: {  	_ =	swait.ge [sflag:s22], s20  }
0x9f: {  	s3 =	ssub.s32 $0x0, s20;
	[sflag:s22] =	ssyncset.done $0x0  }
0xa0: {  	[sflag:s22] =	ssyncadd.s32 s3;
	_ =	sdelay $0x1  }
0xa1: {  	s23 =	simm.s32 $0x1B8B  }
0xa2: {  	_ =	swait.ge [sflag:s23], $0x1  }
0xa3: {  	[sflag:s23] =	ssyncset.done $0x0  }
0xa4: {  	s25 =	simm.s32 $0x1B8E;
	s24 =	sld [smem:$0x3FFE];
	[sflag:s23] =	ssyncadd.s32 $0xFFFFFFFF  }
0xa5: {  	s26 =	simm.s32 $execute0_lowered;
	[smem:$0x3FD2] =	sst s25  }
0xa6: {  	s4 =	sshll.u32 s26, $0x1;
	_ =	strace $0x80000046;
	[dreg:$0x1] =	wrdreg $0xFFFFFFFF  }
0xa7: {  	s28 =	simm.s32 $_size_execute0_lowered;
	s2 =	sadd.s32 s2, s4;
	[dreg:$0x0] =	wrdreg $0x0  }
0xa8: {  	s4 =	sshll.u32 s28, $0x1;
	[dreg:$0x2] =	wrdreg s2  }
0xa9: {  	[dreg:$0x3] =	wrdreg s4  }
0xaa: {  	[dreg:$0x4] =	wrdreg $0xC0  }
0xab: {  	_ =	task [dreg:s6], $0x5FFFF  }
0xac: {  	[dreg:$0x1] =	wrdreg $0xFFFFFFFF  }
0xad: {  	[dreg:$0x0] =	wrdreg $0x60  }
0xae: {  	[dreg:$0x2] =	wrdreg s24  }
0xaf: {  	[dreg:$0x3] =	wrdreg $0x38000  }
0xb0: {  	[dreg:$0x4] =	wrdreg $0x9  }
0xb1: {  	_ =	task.clear_ibuf [dreg:s6], $0x5FFFF;
	_ =	strace $0x90000046  }
0xb2: {  	s29 =	simm.s32 $0x9;
	_ =	strace $0x80000048  }
0xb3: {  	_ =	swait.ge [sflag:s29], $0x1  }
0xb4: {  	[sflag:s29] =	ssyncadd.s32 $0xFFFFFFFF  }
0xb5: {  	_ =	strace $0x90000048  }
0xb6: {  	_ =	sfence  }
0xb7: {  	s30 =	sld [smem:$0x0];
	_ =	sdelay $0x2  }
0xb8: {  	s31 =	sshll.u32 s1, $0xD;
	s1 =	sshrl.u32 s1, $0x2  }
0xb9: {  	s3 =	sand.u32 $0x4000, s31;
	s1 =	sadd.s32 s1, s30  }
0xba: {  	s0 =	sor.u32 s3, s0;
	s1 =	sshll.u32 s1, $0x11  }
0xbb: {  	s0 =	sor.u32 s1, s0  }
0xbc: {  	s0 =	sadd.s32 $0x8F2B, s0  }
0xbd: {  	[sflag:s0] =	ssyncadd.remote.s32 $0x1  }
0xbe: {  	_ =	sfence.sel $0xFFFF  }
0xbf: {  	[dreg:$0x0] =	wrdreg $0xFFFFFFFF;
	(pc) =	sbr.abs _section_cstart, $3  }
0xc0: {  	[dreg:$0x1] =	wrdreg $0xFFFFFFFF  }
0xc1: {  	_ =	task.clear_ibuf [dreg:s6], $0x2FFFF;
	_ =	strace $0x9FFFFFFF  }
0xc2: {  	(tm) =	ssettm $0x7FFFFFFF  }
0xc3: {  	_ =	shalt  }
tec
execute0_lowered:
.L_overlay_start_1:
0x0: {  	(tag) =	ssettag $0x1  }
0x1: {  	s4 =	rddreg [dreg:$0x0]  }
0x2: {  	s2 =	rddreg [dreg:$0x1]  }
0x3: {  	s0 =	rddreg [dreg:$0x2];
	s3 =	simm.s32 $0x0;
	s5 =	srdreg.scid  }
0x4: {  	s1 =	stileid.u32;
	s13 =	simm.s32 $0x3000;
	s14 =	simm.s32 $0x80  }
0x5: {  	s15 =	simm.s32 $0x2800;
	s16 =	simm.s32 $0x1;
	s19 =	simm.s32 $0x0  }
0x6: {  	s5 =	sand.u32 $0x1, s5;
	s6 =	sshll.u32 s1, $0x1;
	s7 =	smul.u32 $0x2800, s1  }
0x7: {  	[smem:$0x7FF] =	sst s3;
	s9 =	smul.u32 $0xA000, s1;
	s17 =	sshll.u32 s1, $0x6  }
0x8: {  	s6 =	sor.u32 s5, s6;
	s8 =	smul.u32 $0x28000, s5;
	_ =	strace $0x80000047  }
0x9: {  	s5 =	ssub.s32 $0x2, s5;
	s17 =	sor.u32 $0x1C02, s17;
	s6 =	smul.u32 $0x500, s6  }
0xa: {  	s10 =	sshrl.u32 s5, $0x1;
	s31 =	sshrl.u32 s9, $0x2;
	s8 =	sadd.s32 s7, s8  }
0xb: {  	s12 =	ssub.s32 s5, s10;
	s5 =	sadd.s32 s7, s2;
	s9 =	sadd.s32 s31, s2  }
0xc: {  	s6 =	sadd.s32 s6, s4;
	s8 =	sshrl.u32 s8, $0x3;
	s7 =	sadd.s32 $0x1000, s9  }
0xd: {  	s18 =	sshrl.u32 s5, $0x3;
	s11 =	sadd.s32 s8, s4;
	s4 =	sadd.s32 $0x1400, s6  }
0xe: {  	s6 =	sadd.s32 $0x800, s9;
	s8 =	sadd.s32 $0x1800, s9;
	s9 =	sadd.s32 $0x2000, s9  }
0xf: {  	v0 =	vimm.f32 $1.000000000e+00;
	v1 =	vimm.f32 $0.0e+00;
	s10 =	sadd.s32 $0xB400, s11;
	s11 =	smax.u32 s12, $0x1;
	s12 =	simm.s32 $0x2  }
.LBB2_1:
0x10: {  	[tilespmem:s3], [sflag:$0x2] =	stream.linear.gather [hbm4b:s4+s3], $0x2800, $0x38;
	[tilespmem:$0x6000] =	vst v63  }
0x11: {  	_ =	swait.ge [sflag:s12], $0x2800  }
0x12: {  	[sflag:s12] =	ssyncset.done $0x0  }
0x13: {  	s20 =	simm.s32 $0x0;
	[sflag:s12] =	ssyncadd.s32 $0xFFFFD800  }
.LBB2_2:
0x14: {  	p0 =	sne.s32 s20, $0x1FC0  }
.Ltmp0:
0x15: {  	_ = 	snop;
	(pc) =	sbr.rel @p0 .LBB2_2-.Ltmp0, $3  }
0x16: {  	_ =	sdelay $0x1  }
0x17: {  	s21 =	sshra.s32 s20, $0x2  }
0x18: {  	s20 =	sadd.s32 $0x40, s20;
	[tilespmem:s21+$0x2800] =	vst v0  }
0x19: {  	s20 =	simm.s32 $0x40;
	s21 =	simm.s32 $0x0  }
.LBB2_4:
0x1a: {  	p0 =	sne.s32 s20, $0x1FC0;
	[tilespmem:s21+$0x3000] =	vst v1;
	s21 =	smov.u32 s20;
	s20 =	sadd.s32 $0x40, s20  }
.Ltmp1:
0x1b: {  	(pc) =	sbr.rel @p0 .LBB2_4-.Ltmp1, $2  }
0x1c: {  	_ =	sdelay $0x2  }
0x1d: {  	s21 =	sshra.s32 s21, $0x2  }
0x1e: {  	[tilespmem:s21+$0x3000] =	vst v1  }
0x1f: {  	[spmem:s5] =	stream.linear.scatter [tilespmem:s13], [sflag:$0x2], $0x800, $0x38;
	[tilespmem:$0x6000] =	vst v63  }
0x20: {  	_ =	swait.ge [sflag:s12], $0x800  }
0x21: {  	[sflag:s12] =	ssyncset.done $0x0  }
0x22: {  	[sflag:s12] =	ssyncadd.s32 $0xFFFFF800  }
0x23: {  	[spmem:s6] =	stream.linear.scatter [tilespmem:s13], [sflag:$0x2], $0x800, $0x38;
	[tilespmem:$0x6000] =	vst v63  }
0x24: {  	_ =	swait.ge [sflag:s12], $0x800  }
0x25: {  	[sflag:s12] =	ssyncset.done $0x0  }
0x26: {  	[sflag:s12] =	ssyncadd.s32 $0xFFFFF800  }
0x27: {  	[spmem:s7] =	stream.linear.scatter [tilespmem:s13], [sflag:$0x2], $0x800, $0x38;
	[tilespmem:$0x6000] =	vst v63  }
0x28: {  	_ =	swait.ge [sflag:s12], $0x800  }
0x29: {  	[sflag:s12] =	ssyncset.done $0x0  }
0x2a: {  	[sflag:s12] =	ssyncadd.s32 $0xFFFFF800  }
0x2b: {  	[spmem:s8] =	stream.linear.scatter [tilespmem:s13], [sflag:$0x2], $0x800, $0x38;
	[tilespmem:$0x6000] =	vst v63  }
0x2c: {  	_ =	swait.ge [sflag:s12], $0x800  }
0x2d: {  	[sflag:s12] =	ssyncset.done $0x0  }
0x2e: {  	[sflag:s12] =	ssyncadd.s32 $0xFFFFF800  }
0x2f: {  	[spmem:s9] =	stream.linear.scatter [tilespmem:s13], [sflag:$0x2], $0x800, $0x38;
	[tilespmem:$0x6000] =	vst v63  }
0x30: {  	_ =	swait.ge [sflag:s12], $0x800  }
0x31: {  	[sflag:s12] =	ssyncset.done $0x0  }
0x32: {  	p0 =	por $0x1, $0x1;
	[sflag:s12] =	ssyncadd.s32 $0xFFFFF800  }
0x33: {  	s20 =	simm.s32 $0x0;
	s22 =	simm.s32 @!p0 $0x1;
	[bflag:$0x0] =	sbarrier.arrive $0xFFFF  }
0x34: {  	[spmem:s2] =	stream.indirect.scatter.add.f32 [tilespmem:s15], [sflag:$0x1], $0x10, s20, s14, $0xb8;
	[tilespmem:$0x6000] =	vst v63  }
0x35: {  	_ =	swait.ge @!p0 [sflag:s22], $0x800  }
0x36: {  	s21 =	simm.s32 $0x1;
	[sflag:s22] =	ssyncset.done @!p0 $0x0  }
.LBB2_6:
0x37: {  	[sflag:s22] =	ssyncadd.s32 @!p0 $0xFFFFF800  }
0x38: {  	s20 =	sadd.s32 $0x80, s20;
	s22 =	smov.u32 s21;
	s21 =	sadd.s32 $0x1, s21  }
0x39: {  	p1 =	sne.s32 s21, $0x50  }
0x3a: {  	[spmem:s2] =	stream.indirect.scatter.add.f32 [tilespmem:s15], [sflag:$0x1], $0x10, s20, s14, $0xb8;
	[tilespmem:$0x6000] =	vst v63  }
.Ltmp2:
0x3b: {  	_ = 	snop;
	(pc) =	sbr.rel @p1 .LBB2_6-.Ltmp2, $4  }
0x3c: {  	p0 =	slt.u32 s22, $0x10  }
0x3d: {  	s22 =	simm.s32 @!p0 $0x1  }
0x3e: {  	_ =	swait.ge @!p0 [sflag:s22], $0x800  }
0x3f: {  	[sflag:s22] =	ssyncset.done @!p0 $0x0  }
0x40: {  	[sflag:s22] =	ssyncadd.s32 @!p0 $0xFFFFF800  }
0x41: {  	_ =	swait.ge [sflag:s16], $0x800  }
0x42: {  	[sflag:s16] =	ssyncset.done $0x0  }
0x43: {  	[sflag:s16] =	ssyncadd.s32 $0xFFFFF800  }
0x44: {  	_ =	swait.ge [sflag:s16], $0x800  }
0x45: {  	[sflag:s16] =	ssyncset.done $0x0  }
0x46: {  	[sflag:s16] =	ssyncadd.s32 $0xFFFFF800  }
0x47: {  	_ =	swait.ge [sflag:s16], $0x800  }
0x48: {  	[sflag:s16] =	ssyncset.done $0x0  }
0x49: {  	[sflag:s16] =	ssyncadd.s32 $0xFFFFF800  }
0x4a: {  	_ =	swait.ge [sflag:s16], $0x800  }
0x4b: {  	[sflag:s16] =	ssyncset.done $0x0  }
0x4c: {  	[sflag:s16] =	ssyncadd.s32 $0xFFFFF800  }
0x4d: {  	_ =	swait.ge [sflag:s16], $0x800  }
0x4e: {  	[sflag:s16] =	ssyncset.done $0x0  }
0x4f: {  	[sflag:s16] =	ssyncadd.s32 $0xFFFFF800  }
0x50: {  	_ =	swait.ge [sflag:s16], $0x800  }
0x51: {  	[sflag:s16] =	ssyncset.done $0x0  }
0x52: {  	[sflag:s16] =	ssyncadd.s32 $0xFFFFF800  }
0x53: {  	_ =	swait.ge [sflag:s16], $0x800  }
0x54: {  	[sflag:s16] =	ssyncset.done $0x0  }
0x55: {  	[sflag:s16] =	ssyncadd.s32 $0xFFFFF800  }
0x56: {  	_ =	swait.ge [sflag:s16], $0x800  }
0x57: {  	[sflag:s16] =	ssyncset.done $0x0  }
0x58: {  	[sflag:s16] =	ssyncadd.s32 $0xFFFFF800  }
0x59: {  	_ =	swait.ge [sflag:s16], $0x800  }
0x5a: {  	[sflag:s16] =	ssyncset.done $0x0  }
0x5b: {  	[sflag:s16] =	ssyncadd.s32 $0xFFFFF800  }
0x5c: {  	_ =	swait.ge [sflag:s16], $0x800  }
0x5d: {  	[sflag:s16] =	ssyncset.done $0x0  }
0x5e: {  	[sflag:s16] =	ssyncadd.s32 $0xFFFFF800  }
0x5f: {  	_ =	swait.ge [sflag:s16], $0x800  }
0x60: {  	[sflag:s16] =	ssyncset.done $0x0  }
0x61: {  	[sflag:s16] =	ssyncadd.s32 $0xFFFFF800  }
0x62: {  	_ =	swait.ge [sflag:s16], $0x800  }
0x63: {  	[sflag:s16] =	ssyncset.done $0x0  }
0x64: {  	[sflag:s16] =	ssyncadd.s32 $0xFFFFF800  }
0x65: {  	_ =	swait.ge [sflag:s16], $0x800  }
0x66: {  	[sflag:s16] =	ssyncset.done $0x0  }
0x67: {  	[sflag:s16] =	ssyncadd.s32 $0xFFFFF800  }
0x68: {  	_ =	swait.ge [sflag:s16], $0x800  }
0x69: {  	[sflag:s16] =	ssyncset.done $0x0  }
0x6a: {  	[sflag:s16] =	ssyncadd.s32 $0xFFFFF800  }
0x6b: {  	_ =	swait.ge [sflag:s16], $0x800  }
0x6c: {  	[sflag:s16] =	ssyncset.done $0x0  }
0x6d: {  	[sflag:s16] =	ssyncadd.s32 $0xFFFFF800  }
0x6e: {  	_ =	swait.ge [sflag:s16], $0x800  }
0x6f: {  	s19 =	sadd.s32 $0x1, s19;
	[sflag:s16] =	ssyncset.done $0x0  }
0x70: {  	p0 =	sne.s32 s19, s11;
	[sflag:s16] =	ssyncadd.s32 $0xFFFFF800  }
.Ltmp3:
0x71: {  	[bflag:$0x0] =	sbarrier.arrive $0xFFFF;
	(pc) =	sbr.rel @p0 .LBB2_1-.Ltmp3, $4  }
0x72: {  	[hbm:s10], [sflag:s17] =	dma.local [spmem:s18], $0x500  }
0x73: {  	_ =	swait.ge [sflag:s12], $0x500  }
0x74: {  	[sflag:s12] =	ssyncset.done $0x0  }
0x75: {  	[sflag:s12] =	ssyncadd.s32 $0xFFFFFB00  }
0x76: {  	_ =	sfence.sel $0x180000  }
0x77: {  	[bflag:$0x0] =	sbarrier.arrive $0xFFFF  }
0x78: {  	p0 =	sne.s32 s1, $0x0;
	_ =	strace $0x90000047  }
0x79: {  	s0 =	sadd.s32 @!p0 $0x100000, s0;
	[bflag:$0x2] =	sbarrier.arrive $0xFFFF  }
0x7a: {  	[sflag:s0] =	ssyncadd.tile.s32 @!p0 $0x1;
	_ =	shalt  }
.Lfunc_end2:
_tile_overlayer_lowered:
.L_overlay_start_2:
0x7b: {  	(tag) =	ssettag $0x2  }
0x7c: {  	s0 =	rddreg [dreg:$0x0];
	s2 =	stileid.u32  }
0x7d: {  	s1 =	rddreg [dreg:$0x1];
	p0 =	sne.s32 s2, $0x0  }
0x7e: {  	s3 =	rddreg [dreg:$0x2];
	[bflag:$0x3] =	sbarrier.arrive $0xFFFF;
	s2 =	simm.s32 @!p0 $0x1C02  }
0x7f: {  	[timem:s3], [sflag:s2] =	dma.local @!p0 [hbm:s0], s1  }
0x80: {  	s0 =	simm.s32 @!p0 $0x2  }
0x81: {  	_ =	swait.ge @!p0 [sflag:s0], s1  }
0x82: {  	s1 =	ssub.s32 @!p0 $0x0, s1;
	[sflag:s0] =	ssyncset.done @!p0 $0x0  }
0x83: {  	[sflag:s0] =	ssyncadd.s32 @!p0 s1  }
0x84: {  	[bflag:$0x3] =	sbarrier.arrive $0xFFFF  }
0x85: {  	_ =	shalt  }

</sc_bundles>
